<compile_context>
chip_gen: v7x
topology: tpu7x:2x2x1
jax: 0.10.2.dev20260603
libtpu: 0.0.44.dev20260713+nightly
codegen_flags: <defaults>
</compile_context>

<pallas_src>
import jax
import jax.numpy as jnp
from jax import lax
from jax.experimental import pallas as pl
from jax.experimental.pallas import tpu as pltpu, tpu_sc as plsc

_R = 3200
_NW = 32


def _sc_body(pos, scl, rot, dr, di, out,
             scl_v, rot_v, dr_v, di_v, buf_a, buf_b, sem_in, sem_pos, sem_out):
    c = lax.axis_index("c")
    s = lax.axis_index("s")
    wid = s * 2 + c
    nchunks = out.shape[1] // _R
    nk = (nchunks - 1 - wid) // _NW + 1

    def out_copies(base):
        sl_h = pl.ds(base, _R)
        return [
            pltpu.make_async_copy(buf_a, out.at[0:8, sl_h], sem_out),
            pltpu.make_async_copy(buf_b, out.at[8:12, sl_h], sem_out),
        ]

    def chunk_body(k, carry):
        base = (wid + k * _NW) * _R
        sl_h = pl.ds(base, _R)
        copies = [
            pltpu.make_async_copy(scl.at[:, sl_h], scl_v, sem_in),
            pltpu.make_async_copy(rot.at[:, sl_h], rot_v, sem_in),
            pltpu.make_async_copy(dr.at[sl_h], dr_v, sem_in),
            pltpu.make_async_copy(di.at[sl_h], di_v, sem_in),
        ]
        for cp in copies:
            cp.start()

        @pl.when(k > 0)
        def _():
            for cp in out_copies(base):
                cp.wait()

        pos_cp = pltpu.make_async_copy(pos.at[:, sl_h], buf_a.at[0:3, :], sem_pos)
        pos_cp.start()
        for cp in copies:
            cp.wait()

        @plsc.parallel_loop(0, _R // 16, 1, unroll=8)
        def fill_body(u):
            sl = pl.ds(16 * u, 16)
            for j in range(3):
                buf_a[3 + j, sl] = jnp.exp(scl_v[j, sl])
            buf_a[6, sl] = rot_v[0, sl]
            buf_a[7, sl] = rot_v[1, sl]
            buf_b[0, sl] = rot_v[2, sl]
            buf_b[1, sl] = rot_v[3, sl]
            buf_b[2, sl] = dr_v[sl]
            buf_b[3, sl] = di_v[sl]

        pos_cp.wait()
        for cp in out_copies(base):
            cp.start()
        return carry

    lax.fori_loop(0, nk, chunk_body, 0)
    for cp in out_copies(0):
        cp.wait()


def kernel(positions, scales, rotations, density_real, density_imag):
    n = positions.shape[0]
    assert n % _R == 0
    mesh = plsc.VectorSubcoreMesh(core_axis_name="c", subcore_axis_name="s")
    f = pl.kernel(
        _sc_body,
        out_type=jax.ShapeDtypeStruct((12, n), jnp.float32),
        mesh=mesh,
        scratch_types=[
            pltpu.VMEM((3, _R), jnp.float32),
            pltpu.VMEM((4, _R), jnp.float32),
            pltpu.VMEM((_R,), jnp.float32),
            pltpu.VMEM((_R,), jnp.float32),
            pltpu.VMEM((8, _R), jnp.float32),
            pltpu.VMEM((4, _R), jnp.float32),
            pltpu.SemaphoreType.DMA,
            pltpu.SemaphoreType.DMA,
            pltpu.SemaphoreType.DMA,
        ],
        compiler_params=pltpu.CompilerParams(
            use_tc_tiling_on_sc=True, needs_layout_passes=False
        ),
    )
    return f(positions.T, scales.T, rotations.T, density_real, density_imag).T

# --- scband reference (transcript-rebuilt; emitter-appended) ---
"""Pipeline reference for scband-gaussian-model3-d-14087492731381 (READ-ONLY COPY).

The authoritative reference and input builder live on the scoring server;
editing this copy changes nothing except your own understanding.
"""

import jax, jax.numpy as jnp
import numpy as np

N = 2000000
VOL0 = 256


def setup_inputs(seed: int = 0) -> dict:
    key = jax.random.key(seed)
    k1, k2, k3, k4, k5 = jax.random.split(key, 5)
    # positions: uniform in [-1, 1] as in _init_parameters
    positions = jax.random.uniform(k1, (N, 3), dtype=jnp.float32) * 2.0 - 1.0
    # scales parameter stores log-scales; init = log(2/volume_shape[0]) with jitter
    base = jnp.log(jnp.full((N, 3), 2.0 / VOL0, dtype=jnp.float32))
    scales = base + 0.01 * jax.random.normal(k2, (N, 3), dtype=jnp.float32)
    # rotations: identity quaternion (w=1) with small perturbation
    rotations = jnp.zeros((N, 4), dtype=jnp.float32).at[:, 0].set(1.0)
    rotations = rotations + 0.01 * jax.random.normal(k3, (N, 4), dtype=jnp.float32)
    density_real = jax.random.normal(k4, (N,), dtype=jnp.float32) * 0.1
    density_imag = jax.random.normal(k5, (N,), dtype=jnp.float32) * 0.1
    return {
        'positions': positions,
        'scales': scales,
        'rotations': rotations,
        'density_real': density_real,
        'density_imag': density_imag,
    }


def reference(positions, scales, rotations, density_real, density_imag):
    # Faithful translation of GaussianModel3D.get_gaussian_params():
    #   positions   -> raw parameter
    #   scales      -> exp(log_scales)  (get_scale_values)
    #   rotations   -> raw quaternion parameter
    #   density     -> complex(density_real, density_imag); kept as two real channels
    scale_values = jnp.exp(scales)
    out = jnp.concatenate(
        [positions, scale_values, rotations, density_real[:, None], density_imag[:, None]],
        axis=1,
    )  # [N, 12]
    return out

if __name__ == "__main__":
    import jax
    _d = setup_inputs()
    print(jax.jit(kernel)(*tuple(_d.values())))

</pallas_src>

<mosaic_0001>
#map = affine_map<(d0, d1) -> (0, 0)>
#map1 = affine_map<(d0, d1) -> (0)>
module attributes {stable_mosaic.version = 14 : i64} {
  func.func @_sc_body(%arg0: i32, %arg1: i32, %arg2: memref<3x2000000xf32, #tpu.memory_space<hbm>>, %arg3: memref<3x2000000xf32, #tpu.memory_space<hbm>>, %arg4: memref<4x2000000xf32, #tpu.memory_space<hbm>>, %arg5: memref<2000000xf32, #tpu.memory_space<hbm>>, %arg6: memref<2000000xf32, #tpu.memory_space<hbm>>, %arg7: memref<12x2000000xf32, #tpu.memory_space<hbm>>, %arg8: memref<3x3200xf32, #tpu.memory_space<vmem>>, %arg9: memref<4x3200xf32, #tpu.memory_space<vmem>>, %arg10: memref<3200xf32, #tpu.memory_space<vmem>>, %arg11: memref<3200xf32, #tpu.memory_space<vmem>>, %arg12: memref<8x3200xf32, #tpu.memory_space<vmem>>, %arg13: memref<4x3200xf32, #tpu.memory_space<vmem>>, %arg14: memref<!tpu.dma_semaphore, #tpu.memory_space<semaphore_mem>>, %arg15: memref<!tpu.dma_semaphore, #tpu.memory_space<semaphore_mem>>, %arg16: memref<!tpu.dma_semaphore, #tpu.memory_space<semaphore_mem>>) attributes {dimension_semantics = [#tpu.dimension_semantics<core_parallel>, #tpu.dimension_semantics<subcore_parallel>], iteration_bounds = array<i64: 2, 16>, scalar_prefetch = 0 : i64, scratch_operands = 9 : i64, tpu.core_type = #tpu.core_type<sc_vector_subcore>, window_params = [{transform_indices = #map}, {transform_indices = #map}, {transform_indices = #map}, {transform_indices = #map1}, {transform_indices = #map1}, {transform_indices = #map}]} {
    %mul3A = arith.constant 2 : i32
    %mul3A_0 = arith.muli %arg1, %mul3A : i32
    %add3A = arith.addi %mul3A_0, %arg0 : i32
    %sub3A = arith.constant 624 : i32
    %sub3A_1 = arith.subi %sub3A, %add3A : i32
    %jit3A = arith.constant 32 : i32
    %div3A = arith.divsi %sub3A_1, %jit3A : i32
    %sign3A = arith.constant 0 : i32
    %sign3A_2 = arith.cmpi sgt, %sub3A_1, %sign3A : i32
    %sign3A_3 = arith.extui %sign3A_2 : i1 to i32
    %sign3A_4 = arith.constant 0 : i32
    %sign3A_5 = arith.cmpi slt, %sub3A_1, %sign3A_4 : i32
    %sign3A_6 = arith.extui %sign3A_5 : i1 to i32
    %sign3A_7 = arith.subi %sign3A_3, %sign3A_6 : i32
    %sign3A_8 = arith.constant 0 : i32
    %sign3A_9 = arith.cmpi sgt, %jit3A, %sign3A_8 : i32
    %sign3A_10 = arith.extui %sign3A_9 : i1 to i32
    %sign3A_11 = arith.constant 0 : i32
    %sign3A_12 = arith.cmpi slt, %jit3A, %sign3A_11 : i32
    %sign3A_13 = arith.extui %sign3A_12 : i1 to i32
    %sign3A_14 = arith.subi %sign3A_10, %sign3A_13 : i32
    %ne3A = arith.cmpi ne, %sign3A_7, %sign3A_14 : i32
    %rem3A = arith.remsi %sub3A_1, %jit3A : i32
    %ne3A_15 = arith.constant 0 : i32
    %ne3A_16 = arith.cmpi ne, %rem3A, %ne3A_15 : i32
    %and3A = arith.andi %ne3A, %ne3A_16 : i1
    %sub3A_17 = arith.constant 1 : i32
    %sub3A_18 = arith.subi %div3A, %sub3A_17 : i32
    %select_n3A = arith.select %and3A, %sub3A_18, %div3A : i32
    %add3A_19 = arith.constant 1 : i32
    %add3A_20 = arith.addi %select_n3A, %add3A_19 : i32
    %while3A = arith.constant 0 : i32
    %while3A_21 = arith.constant 0 : i32
    %while3A_22 = arith.subi %add3A_20, %while3A_21 : i32
    %while3A_23 = arith.addi %while3A_21, %while3A_22 : i32
    %while3A_24 = arith.constant 1 : i32
    %while3A_25 = arith.divsi %while3A_22, %while3A_24 : i32
    %while3A_26 = arith.muli %while3A_25, %while3A_24 : i32
    %while3A_27 = arith.addi %while3A_21, %while3A_26 : i32
    %while3A_28 = arith.constant 1 : i32
    scf.for %while3A_41 = %while3A_21 to %while3A_27 step %while3A_28  : i32 {
      %mul3A_42 = arith.constant 32 : i32
      %mul3A_43 = arith.muli %while3A_41, %mul3A_42 : i32
      %add3A_44 = arith.addi %add3A, %mul3A_43 : i32
      %mul3A_45 = arith.constant 3200 : i32
      %mul3A_46 = arith.muli %add3A_44, %mul3A_45 : i32
      %dma_start3A = arith.constant 0 : i32
      %dma_start3A_47 = tpu.memref_slice %arg3[%dma_start3A, %mul3A_46] : memref<3x2000000xf32, #tpu.memory_space<hbm>> -> memref<3x3200xf32, #tpu.memory_space<hbm>>
      %dma_start3A_48 = arith.constant 0 : i32
      %dma_start3A_49 = tpu.memref_slice %arg3[%dma_start3A_48, %mul3A_46] : memref<3x2000000xf32, #tpu.memory_space<hbm>> -> memref<3x3200xf32, #tpu.memory_space<hbm>>
      tpu.enqueue_dma source(%dma_start3A_49 : memref<3x3200xf32, #tpu.memory_space<hbm>>) target(%arg8 : memref<3x3200xf32, #tpu.memory_space<vmem>>) target_semaphore(%arg14 : memref<!tpu.dma_semaphore, #tpu.memory_space<semaphore_mem>>)
      %dma_start3A_50 = arith.constant 0 : i32
      %dma_start3A_51 = tpu.memref_slice %arg4[%dma_start3A_50, %mul3A_46] : memref<4x2000000xf32, #tpu.memory_space<hbm>> -> memref<4x3200xf32, #tpu.memory_space<hbm>>
      %dma_start3A_52 = arith.constant 0 : i32
      %dma_start3A_53 = tpu.memref_slice %arg4[%dma_start3A_52, %mul3A_46] : memref<4x2000000xf32, #tpu.memory_space<hbm>> -> memref<4x3200xf32, #tpu.memory_space<hbm>>
      tpu.enqueue_dma source(%dma_start3A_53 : memref<4x3200xf32, #tpu.memory_space<hbm>>) target(%arg9 : memref<4x3200xf32, #tpu.memory_space<vmem>>) target_semaphore(%arg14 : memref<!tpu.dma_semaphore, #tpu.memory_space<semaphore_mem>>)
      %dma_start3A_54 = tpu.memref_slice %arg5[%mul3A_46] : memref<2000000xf32, #tpu.memory_space<hbm>> -> memref<3200xf32, #tpu.memory_space<hbm>>
      %dma_start3A_55 = tpu.memref_slice %arg5[%mul3A_46] : memref<2000000xf32, #tpu.memory_space<hbm>> -> memref<3200xf32, #tpu.memory_space<hbm>>
      tpu.enqueue_dma source(%dma_start3A_55 : memref<3200xf32, #tpu.memory_space<hbm>>) target(%arg10 : memref<3200xf32, #tpu.memory_space<vmem>>) target_semaphore(%arg14 : memref<!tpu.dma_semaphore, #tpu.memory_space<semaphore_mem>>)
      %dma_start3A_56 = tpu.memref_slice %arg6[%mul3A_46] : memref<2000000xf32, #tpu.memory_space<hbm>> -> memref<3200xf32, #tpu.memory_space<hbm>>
      %dma_start3A_57 = tpu.memref_slice %arg6[%mul3A_46] : memref<2000000xf32, #tpu.memory_space<hbm>> -> memref<3200xf32, #tpu.memory_space<hbm>>
      tpu.enqueue_dma source(%dma_start3A_57 : memref<3200xf32, #tpu.memory_space<hbm>>) target(%arg11 : memref<3200xf32, #tpu.memory_space<vmem>>) target_semaphore(%arg14 : memref<!tpu.dma_semaphore, #tpu.memory_space<semaphore_mem>>)
      %gt3A = arith.constant 0 : i32
      %gt3A_58 = arith.cmpi sgt, %while3A_41, %gt3A : i32
      %convert_element_type3A = arith.extui %gt3A_58 : i1 to i32
      %cond3A = arith.constant 0 : i32
      %cond3A_59 = arith.cmpi ne, %convert_element_type3A, %cond3A : i32
      scf.if %cond3A_59 {
        %dma_wait3A_102 = arith.constant 0 : i32
        %dma_wait3A_103 = tpu.memref_slice %arg7[%dma_wait3A_102, %mul3A_46] : memref<12x2000000xf32, #tpu.memory_space<hbm>> -> memref<8x3200xf32, #tpu.memory_space<hbm>>
        %dma_wait3A_104 = arith.constant 0 : i32
        %dma_wait3A_105 = tpu.memref_slice %arg7[%dma_wait3A_104, %mul3A_46] : memref<12x2000000xf32, #tpu.memory_space<hbm>> -> memref<8x3200xf32, #tpu.memory_space<hbm>>
        tpu.wait_dma2 semaphore(%arg16 : memref<!tpu.dma_semaphore, #tpu.memory_space<semaphore_mem>>) src(%arg12 : memref<8x3200xf32, #tpu.memory_space<vmem>>) dst(%dma_wait3A_105 : memref<8x3200xf32, #tpu.memory_space<hbm>>)
        %dma_wait3A_106 = arith.constant 8 : i32
        %dma_wait3A_107 = tpu.memref_slice %arg7[%dma_wait3A_106, %mul3A_46] : memref<12x2000000xf32, #tpu.memory_space<hbm>> -> memref<4x3200xf32, #tpu.memory_space<hbm>>
        %dma_wait3A_108 = arith.constant 8 : i32
        %dma_wait3A_109 = tpu.memref_slice %arg7[%dma_wait3A_108, %mul3A_46] : memref<12x2000000xf32, #tpu.memory_space<hbm>> -> memref<4x3200xf32, #tpu.memory_space<hbm>>
        tpu.wait_dma2 semaphore(%arg16 : memref<!tpu.dma_semaphore, #tpu.memory_space<semaphore_mem>>) src(%arg13 : memref<4x3200xf32, #tpu.memory_space<vmem>>) dst(%dma_wait3A_109 : memref<4x3200xf32, #tpu.memory_space<hbm>>)
      } else {
      }
      %dma_start3A_60 = arith.constant 0 : i32
      %dma_start3A_61 = arith.constant 0 : i32
      %dma_start3A_62 = tpu.memref_slice %arg12[%dma_start3A_60, %dma_start3A_61] : memref<8x3200xf32, #tpu.memory_space<vmem>> -> memref<3x3200xf32, #tpu.memory_space<vmem>>
      %dma_start3A_63 = arith.constant 0 : i32
      %dma_start3A_64 = tpu.memref_slice %arg2[%dma_start3A_63, %mul3A_46] : memref<3x2000000xf32, #tpu.memory_space<hbm>> -> memref<3x3200xf32, #tpu.memory_space<hbm>>
      %dma_start3A_65 = arith.constant 0 : i32
      %dma_start3A_66 = arith.constant 0 : i32
      %dma_start3A_67 = tpu.memref_slice %arg12[%dma_start3A_65, %dma_start3A_66] : memref<8x3200xf32, #tpu.memory_space<vmem>> -> memref<3x3200xf32, #tpu.memory_space<vmem>>
      %dma_start3A_68 = arith.constant 0 : i32
      %dma_start3A_69 = tpu.memref_slice %arg2[%dma_start3A_68, %mul3A_46] : memref<3x2000000xf32, #tpu.memory_space<hbm>> -> memref<3x3200xf32, #tpu.memory_space<hbm>>
      tpu.enqueue_dma source(%dma_start3A_69 : memref<3x3200xf32, #tpu.memory_space<hbm>>) target(%dma_start3A_67 : memref<3x3200xf32, #tpu.memory_space<vmem>>) target_semaphore(%arg15 : memref<!tpu.dma_semaphore, #tpu.memory_space<semaphore_mem>>)
      %dma_wait3A_70 = arith.constant 0 : i32
      %dma_wait3A_71 = tpu.memref_slice %arg3[%dma_wait3A_70, %mul3A_46] : memref<3x2000000xf32, #tpu.memory_space<hbm>> -> memref<3x3200xf32, #tpu.memory_space<hbm>>
      %dma_wait3A_72 = arith.constant 0 : i32
      %dma_wait3A_73 = tpu.memref_slice %arg3[%dma_wait3A_72, %mul3A_46] : memref<3x2000000xf32, #tpu.memory_space<hbm>> -> memref<3x3200xf32, #tpu.memory_space<hbm>>
      tpu.wait_dma2 semaphore(%arg14 : memref<!tpu.dma_semaphore, #tpu.memory_space<semaphore_mem>>) src(%dma_wait3A_73 : memref<3x3200xf32, #tpu.memory_space<hbm>>) dst(%arg8 : memref<3x3200xf32, #tpu.memory_space<vmem>>)
      %dma_wait3A_74 = arith.constant 0 : i32
      %dma_wait3A_75 = tpu.memref_slice %arg4[%dma_wait3A_74, %mul3A_46] : memref<4x2000000xf32, #tpu.memory_space<hbm>> -> memref<4x3200xf32, #tpu.memory_space<hbm>>
      %dma_wait3A_76 = arith.constant 0 : i32
      %dma_wait3A_77 = tpu.memref_slice %arg4[%dma_wait3A_76, %mul3A_46] : memref<4x2000000xf32, #tpu.memory_space<hbm>> -> memref<4x3200xf32, #tpu.memory_space<hbm>>
      tpu.wait_dma2 semaphore(%arg14 : memref<!tpu.dma_semaphore, #tpu.memory_space<semaphore_mem>>) src(%dma_wait3A_77 : memref<4x3200xf32, #tpu.memory_space<hbm>>) dst(%arg9 : memref<4x3200xf32, #tpu.memory_space<vmem>>)
      %dma_wait3A_78 = tpu.memref_slice %arg5[%mul3A_46] : memref<2000000xf32, #tpu.memory_space<hbm>> -> memref<3200xf32, #tpu.memory_space<hbm>>
      %dma_wait3A_79 = tpu.memref_slice %arg5[%mul3A_46] : memref<2000000xf32, #tpu.memory_space<hbm>> -> memref<3200xf32, #tpu.memory_space<hbm>>
      tpu.wait_dma2 semaphore(%arg14 : memref<!tpu.dma_semaphore, #tpu.memory_space<semaphore_mem>>) src(%dma_wait3A_79 : memref<3200xf32, #tpu.memory_space<hbm>>) dst(%arg10 : memref<3200xf32, #tpu.memory_space<vmem>>)
      %dma_wait3A_80 = tpu.memref_slice %arg6[%mul3A_46] : memref<2000000xf32, #tpu.memory_space<hbm>> -> memref<3200xf32, #tpu.memory_space<hbm>>
      %dma_wait3A_81 = tpu.memref_slice %arg6[%mul3A_46] : memref<2000000xf32, #tpu.memory_space<hbm>> -> memref<3200xf32, #tpu.memory_space<hbm>>
      tpu.wait_dma2 semaphore(%arg14 : memref<!tpu.dma_semaphore, #tpu.memory_space<semaphore_mem>>) src(%dma_wait3A_81 : memref<3200xf32, #tpu.memory_space<hbm>>) dst(%arg11 : memref<3200xf32, #tpu.memory_space<vmem>>)
      %parallel_loop3A = arith.constant 0 : i32
      %parallel_loop3A_82 = arith.constant 200 : i32
      %parallel_loop3A_83 = arith.constant 1 : i32
      scf.for %parallel_loop3A_102 = %parallel_loop3A to %parallel_loop3A_82 step %parallel_loop3A_83  : i32 {
        %parallel_loop3A_103 = arith.constant 16 : i32
        %parallel_loop3A_104 = arith.muli %parallel_loop3A_103, %parallel_loop3A_102 : i32
        %parallel_loop3A_105 = arith.constant 0 : i32
        %parallel_loop3A_106 = arith.index_cast %parallel_loop3A_105 : i32 to index
        %parallel_loop3A_107 = arith.index_cast %parallel_loop3A_104 : i32 to index
        %parallel_loop3A_108 = tpu.vector_load %arg8[%parallel_loop3A_106, %parallel_loop3A_107] {strides = array<i32>} : memref<3x3200xf32, #tpu.memory_space<vmem>>, vector<16xf32>,
        %parallel_loop3A_109 = math.exp %parallel_loop3A_108 : vector<16xf32>
        %parallel_loop3A_110 = arith.constant 3 : i32
        %parallel_loop3A_111 = arith.index_cast %parallel_loop3A_110 : i32 to index
        %parallel_loop3A_112 = arith.index_cast %parallel_loop3A_104 : i32 to index
        %parallel_loop3A_113 = tpu.vector_load %arg12[%parallel_loop3A_111, %parallel_loop3A_112] {strides = array<i32>} : memref<8x3200xf32, #tpu.memory_space<vmem>>, vector<16xf32>,
        tpu.vector_store %arg12[%parallel_loop3A_111, %parallel_loop3A_112], %parallel_loop3A_109 {strides = array<i32>} : memref<8x3200xf32, #tpu.memory_space<vmem>>, vector<16xf32>,
        %parallel_loop3A_114 = arith.constant 1 : i32
        %parallel_loop3A_115 = arith.index_cast %parallel_loop3A_114 : i32 to index
        %parallel_loop3A_116 = arith.index_cast %parallel_loop3A_104 : i32 to index
        %parallel_loop3A_117 = tpu.vector_load %arg8[%parallel_loop3A_115, %parallel_loop3A_116] {strides = array<i32>} : memref<3x3200xf32, #tpu.memory_space<vmem>>, vector<16xf32>,
        %parallel_loop3A_118 = math.exp %parallel_loop3A_117 : vector<16xf32>
        %parallel_loop3A_119 = arith.constant 4 : i32
        %parallel_loop3A_120 = arith.index_cast %parallel_loop3A_119 : i32 to index
        %parallel_loop3A_121 = arith.index_cast %parallel_loop3A_104 : i32 to index
        %parallel_loop3A_122 = tpu.vector_load %arg12[%parallel_loop3A_120, %parallel_loop3A_121] {strides = array<i32>} : memref<8x3200xf32, #tpu.memory_space<vmem>>, vector<16xf32>,
        tpu.vector_store %arg12[%parallel_loop3A_120, %parallel_loop3A_121], %parallel_loop3A_118 {strides = array<i32>} : memref<8x3200xf32, #tpu.memory_space<vmem>>, vector<16xf32>,
        %parallel_loop3A_123 = arith.constant 2 : i32
        %parallel_loop3A_124 = arith.index_cast %parallel_loop3A_123 : i32 to index
        %parallel_loop3A_125 = arith.index_cast %parallel_loop3A_104 : i32 to index
        %parallel_loop3A_126 = tpu.vector_load %arg8[%parallel_loop3A_124, %parallel_loop3A_125] {strides = array<i32>} : memref<3x3200xf32, #tpu.memory_space<vmem>>, vector<16xf32>,
        %parallel_loop3A_127 = math.exp %parallel_loop3A_126 : vector<16xf32>
        %parallel_loop3A_128 = arith.constant 5 : i32
        %parallel_loop3A_129 = arith.index_cast %parallel_loop3A_128 : i32 to index
        %parallel_loop3A_130 = arith.index_cast %parallel_loop3A_104 : i32 to index
        %parallel_loop3A_131 = tpu.vector_load %arg12[%parallel_loop3A_129, %parallel_loop3A_130] {strides = array<i32>} : memref<8x3200xf32, #tpu.memory_space<vmem>>, vector<16xf32>,
        tpu.vector_store %arg12[%parallel_loop3A_129, %parallel_loop3A_130], %parallel_loop3A_127 {strides = array<i32>} : memref<8x3200xf32, #tpu.memory_space<vmem>>, vector<16xf32>,
        %parallel_loop3A_132 = arith.constant 0 : i32
        %parallel_loop3A_133 = arith.index_cast %parallel_loop3A_132 : i32 to index
        %parallel_loop3A_134 = arith.index_cast %parallel_loop3A_104 : i32 to index
        %parallel_loop3A_135 = tpu.vector_load %arg9[%parallel_loop3A_133, %parallel_loop3A_134] {strides = array<i32>} : memref<4x3200xf32, #tpu.memory_space<vmem>>, vector<16xf32>,
        %parallel_loop3A_136 = arith.constant 6 : i32
        %parallel_loop3A_137 = arith.index_cast %parallel_loop3A_136 : i32 to index
        %parallel_loop3A_138 = arith.index_cast %parallel_loop3A_104 : i32 to index
        %parallel_loop3A_139 = tpu.vector_load %arg12[%parallel_loop3A_137, %parallel_loop3A_138] {strides = array<i32>} : memref<8x3200xf32, #tpu.memory_space<vmem>>, vector<16xf32>,
        tpu.vector_store %arg12[%parallel_loop3A_137, %parallel_loop3A_138], %parallel_loop3A_135 {strides = array<i32>} : memref<8x3200xf32, #tpu.memory_space<vmem>>, vector<16xf32>,
        %parallel_loop3A_140 = arith.constant 1 : i32
        %parallel_loop3A_141 = arith.index_cast %parallel_loop3A_140 : i32 to index
        %parallel_loop3A_142 = arith.index_cast %parallel_loop3A_104 : i32 to index
        %parallel_loop3A_143 = tpu.vector_load %arg9[%parallel_loop3A_141, %parallel_loop3A_142] {strides = array<i32>} : memref<4x3200xf32, #tpu.memory_space<vmem>>, vector<16xf32>,
        %parallel_loop3A_144 = arith.constant 7 : i32
        %parallel_loop3A_145 = arith.index_cast %parallel_loop3A_144 : i32 to index
        %parallel_loop3A_146 = arith.index_cast %parallel_loop3A_104 : i32 to index
        %parallel_loop3A_147 = tpu.vector_load %arg12[%parallel_loop3A_145, %parallel_loop3A_146] {strides = array<i32>} : memref<8x3200xf32, #tpu.memory_space<vmem>>, vector<16xf32>,
        tpu.vector_store %arg12[%parallel_loop3A_145, %parallel_loop3A_146], %parallel_loop3A_143 {strides = array<i32>} : memref<8x3200xf32, #tpu.memory_space<vmem>>, vector<16xf32>,
        %parallel_loop3A_148 = arith.constant 2 : i32
        %parallel_loop3A_149 = arith.index_cast %parallel_loop3A_148 : i32 to index
        %parallel_loop3A_150 = arith.index_cast %parallel_loop3A_104 : i32 to index
        %parallel_loop3A_151 = tpu.vector_load %arg9[%parallel_loop3A_149, %parallel_loop3A_150] {strides = array<i32>} : memref<4x3200xf32, #tpu.memory_space<vmem>>, vector<16xf32>,
        %parallel_loop3A_152 = arith.constant 0 : i32
        %parallel_loop3A_153 = arith.index_cast %parallel_loop3A_152 : i32 to index
        %parallel_loop3A_154 = arith.index_cast %parallel_loop3A_104 : i32 to index
        %parallel_loop3A_155 = tpu.vector_load %arg13[%parallel_loop3A_153, %parallel_loop3A_154] {strides = array<i32>} : memref<4x3200xf32, #tpu.memory_space<vmem>>, vector<16xf32>,
        tpu.vector_store %arg13[%parallel_loop3A_153, %parallel_loop3A_154], %parallel_loop3A_151 {strides = array<i32>} : memref<4x3200xf32, #tpu.memory_space<vmem>>, vector<16xf32>,
        %parallel_loop3A_156 = arith.constant 3 : i32
        %parallel_loop3A_157 = arith.index_cast %parallel_loop3A_156 : i32 to index
        %parallel_loop3A_158 = arith.index_cast %parallel_loop3A_104 : i32 to index
        %parallel_loop3A_159 = tpu.vector_load %arg9[%parallel_loop3A_157, %parallel_loop3A_158] {strides = array<i32>} : memref<4x3200xf32, #tpu.memory_space<vmem>>, vector<16xf32>,
        %parallel_loop3A_160 = arith.constant 1 : i32
        %parallel_loop3A_161 = arith.index_cast %parallel_loop3A_160 : i32 to index
        %parallel_loop3A_162 = arith.index_cast %parallel_loop3A_104 : i32 to index
        %parallel_loop3A_163 = tpu.vector_load %arg13[%parallel_loop3A_161, %parallel_loop3A_162] {strides = array<i32>} : memref<4x3200xf32, #tpu.memory_space<vmem>>, vector<16xf32>,
        tpu.vector_store %arg13[%parallel_loop3A_161, %parallel_loop3A_162], %parallel_loop3A_159 {strides = array<i32>} : memref<4x3200xf32, #tpu.memory_space<vmem>>, vector<16xf32>,
        %parallel_loop3A_164 = arith.index_cast %parallel_loop3A_104 : i32 to index
        %parallel_loop3A_165 = tpu.vector_load %arg10[%parallel_loop3A_164] {strides = array<i32>} : memref<3200xf32, #tpu.memory_space<vmem>>, vector<16xf32>,
        %parallel_loop3A_166 = arith.constant 2 : i32
        %parallel_loop3A_167 = arith.index_cast %parallel_loop3A_166 : i32 to index
        %parallel_loop3A_168 = arith.index_cast %parallel_loop3A_104 : i32 to index
        %parallel_loop3A_169 = tpu.vector_load %arg13[%parallel_loop3A_167, %parallel_loop3A_168] {strides = array<i32>} : memref<4x3200xf32, #tpu.memory_space<vmem>>, vector<16xf32>,
        tpu.vector_store %arg13[%parallel_loop3A_167, %parallel_loop3A_168], %parallel_loop3A_165 {strides = array<i32>} : memref<4x3200xf32, #tpu.memory_space<vmem>>, vector<16xf32>,
        %parallel_loop3A_170 = arith.index_cast %parallel_loop3A_104 : i32 to index
        %parallel_loop3A_171 = tpu.vector_load %arg11[%parallel_loop3A_170] {strides = array<i32>} : memref<3200xf32, #tpu.memory_space<vmem>>, vector<16xf32>,
        %parallel_loop3A_172 = arith.constant 3 : i32
        %parallel_loop3A_173 = arith.index_cast %parallel_loop3A_172 : i32 to index
        %parallel_loop3A_174 = arith.index_cast %parallel_loop3A_104 : i32 to index
        %parallel_loop3A_175 = tpu.vector_load %arg13[%parallel_loop3A_173, %parallel_loop3A_174] {strides = array<i32>} : memref<4x3200xf32, #tpu.memory_space<vmem>>, vector<16xf32>,
        tpu.vector_store %arg13[%parallel_loop3A_173, %parallel_loop3A_174], %parallel_loop3A_171 {strides = array<i32>} : memref<4x3200xf32, #tpu.memory_space<vmem>>, vector<16xf32>,
      } {sc.loop_unroll_factor = 8 : i64, sc.parallel_access}
      %dma_wait3A_84 = arith.constant 0 : i32
      %dma_wait3A_85 = arith.constant 0 : i32
      %dma_wait3A_86 = tpu.memref_slice %arg12[%dma_wait3A_84, %dma_wait3A_85] : memref<8x3200xf32, #tpu.memory_space<vmem>> -> memref<3x3200xf32, #tpu.memory_space<vmem>>
      %dma_wait3A_87 = arith.constant 0 : i32
      %dma_wait3A_88 = tpu.memref_slice %arg2[%dma_wait3A_87, %mul3A_46] : memref<3x2000000xf32, #tpu.memory_space<hbm>> -> memref<3x3200xf32, #tpu.memory_space<hbm>>
      %dma_wait3A_89 = arith.constant 0 : i32
      %dma_wait3A_90 = arith.constant 0 : i32
      %dma_wait3A_91 = tpu.memref_slice %arg12[%dma_wait3A_89, %dma_wait3A_90] : memref<8x3200xf32, #tpu.memory_space<vmem>> -> memref<3x3200xf32, #tpu.memory_space<vmem>>
      %dma_wait3A_92 = arith.constant 0 : i32
      %dma_wait3A_93 = tpu.memref_slice %arg2[%dma_wait3A_92, %mul3A_46] : memref<3x2000000xf32, #tpu.memory_space<hbm>> -> memref<3x3200xf32, #tpu.memory_space<hbm>>
      tpu.wait_dma2 semaphore(%arg15 : memref<!tpu.dma_semaphore, #tpu.memory_space<semaphore_mem>>) src(%dma_wait3A_93 : memref<3x3200xf32, #tpu.memory_space<hbm>>) dst(%dma_wait3A_91 : memref<3x3200xf32, #tpu.memory_space<vmem>>)
      %dma_start3A_94 = arith.constant 0 : i32
      %dma_start3A_95 = tpu.memref_slice %arg7[%dma_start3A_94, %mul3A_46] : memref<12x2000000xf32, #tpu.memory_space<hbm>> -> memref<8x3200xf32, #tpu.memory_space<hbm>>
      %dma_start3A_96 = arith.constant 0 : i32
      %dma_start3A_97 = tpu.memref_slice %arg7[%dma_start3A_96, %mul3A_46] : memref<12x2000000xf32, #tpu.memory_space<hbm>> -> memref<8x3200xf32, #tpu.memory_space<hbm>>
      tpu.enqueue_dma source(%arg12 : memref<8x3200xf32, #tpu.memory_space<vmem>>) target(%dma_start3A_97 : memref<8x3200xf32, #tpu.memory_space<hbm>>) target_semaphore(%arg16 : memref<!tpu.dma_semaphore, #tpu.memory_space<semaphore_mem>>)
      %dma_start3A_98 = arith.constant 8 : i32
      %dma_start3A_99 = tpu.memref_slice %arg7[%dma_start3A_98, %mul3A_46] : memref<12x2000000xf32, #tpu.memory_space<hbm>> -> memref<4x3200xf32, #tpu.memory_space<hbm>>
      %dma_start3A_100 = arith.constant 8 : i32
      %dma_start3A_101 = tpu.memref_slice %arg7[%dma_start3A_100, %mul3A_46] : memref<12x2000000xf32, #tpu.memory_space<hbm>> -> memref<4x3200xf32, #tpu.memory_space<hbm>>
      tpu.enqueue_dma source(%arg13 : memref<4x3200xf32, #tpu.memory_space<vmem>>) target(%dma_start3A_101 : memref<4x3200xf32, #tpu.memory_space<hbm>>) target_semaphore(%arg16 : memref<!tpu.dma_semaphore, #tpu.memory_space<semaphore_mem>>)
    }
    %while3A_29 = arith.constant 1 : i32
    scf.for %while3A_41 = %while3A_27 to %while3A_23 step %while3A_29  : i32 {
      %mul3A_42 = arith.constant 32 : i32
      %mul3A_43 = arith.muli %while3A_41, %mul3A_42 : i32
      %add3A_44 = arith.addi %add3A, %mul3A_43 : i32
      %mul3A_45 = arith.constant 3200 : i32
      %mul3A_46 = arith.muli %add3A_44, %mul3A_45 : i32
      %dma_start3A = arith.constant 0 : i32
      %dma_start3A_47 = tpu.memref_slice %arg3[%dma_start3A, %mul3A_46] : memref<3x2000000xf32, #tpu.memory_space<hbm>> -> memref<3x3200xf32, #tpu.memory_space<hbm>>
      %dma_start3A_48 = arith.constant 0 : i32
      %dma_start3A_49 = tpu.memref_slice %arg3[%dma_start3A_48, %mul3A_46] : memref<3x2000000xf32, #tpu.memory_space<hbm>> -> memref<3x3200xf32, #tpu.memory_space<hbm>>
      tpu.enqueue_dma source(%dma_start3A_49 : memref<3x3200xf32, #tpu.memory_space<hbm>>) target(%arg8 : memref<3x3200xf32, #tpu.memory_space<vmem>>) target_semaphore(%arg14 : memref<!tpu.dma_semaphore, #tpu.memory_space<semaphore_mem>>)
      %dma_start3A_50 = arith.constant 0 : i32
      %dma_start3A_51 = tpu.memref_slice %arg4[%dma_start3A_50, %mul3A_46] : memref<4x2000000xf32, #tpu.memory_space<hbm>> -> memref<4x3200xf32, #tpu.memory_space<hbm>>
      %dma_start3A_52 = arith.constant 0 : i32
      %dma_start3A_53 = tpu.memref_slice %arg4[%dma_start3A_52, %mul3A_46] : memref<4x2000000xf32, #tpu.memory_space<hbm>> -> memref<4x3200xf32, #tpu.memory_space<hbm>>
      tpu.enqueue_dma source(%dma_start3A_53 : memref<4x3200xf32, #tpu.memory_space<hbm>>) target(%arg9 : memref<4x3200xf32, #tpu.memory_space<vmem>>) target_semaphore(%arg14 : memref<!tpu.dma_semaphore, #tpu.memory_space<semaphore_mem>>)
      %dma_start3A_54 = tpu.memref_slice %arg5[%mul3A_46] : memref<2000000xf32, #tpu.memory_space<hbm>> -> memref<3200xf32, #tpu.memory_space<hbm>>
      %dma_start3A_55 = tpu.memref_slice %arg5[%mul3A_46] : memref<2000000xf32, #tpu.memory_space<hbm>> -> memref<3200xf32, #tpu.memory_space<hbm>>
      tpu.enqueue_dma source(%dma_start3A_55 : memref<3200xf32, #tpu.memory_space<hbm>>) target(%arg10 : memref<3200xf32, #tpu.memory_space<vmem>>) target_semaphore(%arg14 : memref<!tpu.dma_semaphore, #tpu.memory_space<semaphore_mem>>)
      %dma_start3A_56 = tpu.memref_slice %arg6[%mul3A_46] : memref<2000000xf32, #tpu.memory_space<hbm>> -> memref<3200xf32, #tpu.memory_space<hbm>>
      %dma_start3A_57 = tpu.memref_slice %arg6[%mul3A_46] : memref<2000000xf32, #tpu.memory_space<hbm>> -> memref<3200xf32, #tpu.memory_space<hbm>>
      tpu.enqueue_dma source(%dma_start3A_57 : memref<3200xf32, #tpu.memory_space<hbm>>) target(%arg11 : memref<3200xf32, #tpu.memory_space<vmem>>) target_semaphore(%arg14 : memref<!tpu.dma_semaphore, #tpu.memory_space<semaphore_mem>>)
      %gt3A = arith.constant 0 : i32
      %gt3A_58 = arith.cmpi sgt, %while3A_41, %gt3A : i32
      %convert_element_type3A = arith.extui %gt3A_58 : i1 to i32
      %cond3A = arith.constant 0 : i32
      %cond3A_59 = arith.cmpi ne, %convert_element_type3A, %cond3A : i32
      scf.if %cond3A_59 {
        %dma_wait3A_102 = arith.constant 0 : i32
        %dma_wait3A_103 = tpu.memref_slice %arg7[%dma_wait3A_102, %mul3A_46] : memref<12x2000000xf32, #tpu.memory_space<hbm>> -> memref<8x3200xf32, #tpu.memory_space<hbm>>
        %dma_wait3A_104 = arith.constant 0 : i32
        %dma_wait3A_105 = tpu.memref_slice %arg7[%dma_wait3A_104, %mul3A_46] : memref<12x2000000xf32, #tpu.memory_space<hbm>> -> memref<8x3200xf32, #tpu.memory_space<hbm>>
        tpu.wait_dma2 semaphore(%arg16 : memref<!tpu.dma_semaphore, #tpu.memory_space<semaphore_mem>>) src(%arg12 : memref<8x3200xf32, #tpu.memory_space<vmem>>) dst(%dma_wait3A_105 : memref<8x3200xf32, #tpu.memory_space<hbm>>)
        %dma_wait3A_106 = arith.constant 8 : i32
        %dma_wait3A_107 = tpu.memref_slice %arg7[%dma_wait3A_106, %mul3A_46] : memref<12x2000000xf32, #tpu.memory_space<hbm>> -> memref<4x3200xf32, #tpu.memory_space<hbm>>
        %dma_wait3A_108 = arith.constant 8 : i32
        %dma_wait3A_109 = tpu.memref_slice %arg7[%dma_wait3A_108, %mul3A_46] : memref<12x2000000xf32, #tpu.memory_space<hbm>> -> memref<4x3200xf32, #tpu.memory_space<hbm>>
        tpu.wait_dma2 semaphore(%arg16 : memref<!tpu.dma_semaphore, #tpu.memory_space<semaphore_mem>>) src(%arg13 : memref<4x3200xf32, #tpu.memory_space<vmem>>) dst(%dma_wait3A_109 : memref<4x3200xf32, #tpu.memory_space<hbm>>)
      } else {
      }
      %dma_start3A_60 = arith.constant 0 : i32
      %dma_start3A_61 = arith.constant 0 : i32
      %dma_start3A_62 = tpu.memref_slice %arg12[%dma_start3A_60, %dma_start3A_61] : memref<8x3200xf32, #tpu.memory_space<vmem>> -> memref<3x3200xf32, #tpu.memory_space<vmem>>
      %dma_start3A_63 = arith.constant 0 : i32
      %dma_start3A_64 = tpu.memref_slice %arg2[%dma_start3A_63, %mul3A_46] : memref<3x2000000xf32, #tpu.memory_space<hbm>> -> memref<3x3200xf32, #tpu.memory_space<hbm>>
      %dma_start3A_65 = arith.constant 0 : i32
      %dma_start3A_66 = arith.constant 0 : i32
      %dma_start3A_67 = tpu.memref_slice %arg12[%dma_start3A_65, %dma_start3A_66] : memref<8x3200xf32, #tpu.memory_space<vmem>> -> memref<3x3200xf32, #tpu.memory_space<vmem>>
      %dma_start3A_68 = arith.constant 0 : i32
      %dma_start3A_69 = tpu.memref_slice %arg2[%dma_start3A_68, %mul3A_46] : memref<3x2000000xf32, #tpu.memory_space<hbm>> -> memref<3x3200xf32, #tpu.memory_space<hbm>>
      tpu.enqueue_dma source(%dma_start3A_69 : memref<3x3200xf32, #tpu.memory_space<hbm>>) target(%dma_start3A_67 : memref<3x3200xf32, #tpu.memory_space<vmem>>) target_semaphore(%arg15 : memref<!tpu.dma_semaphore, #tpu.memory_space<semaphore_mem>>)
      %dma_wait3A_70 = arith.constant 0 : i32
      %dma_wait3A_71 = tpu.memref_slice %arg3[%dma_wait3A_70, %mul3A_46] : memref<3x2000000xf32, #tpu.memory_space<hbm>> -> memref<3x3200xf32, #tpu.memory_space<hbm>>
      %dma_wait3A_72 = arith.constant 0 : i32
      %dma_wait3A_73 = tpu.memref_slice %arg3[%dma_wait3A_72, %mul3A_46] : memref<3x2000000xf32, #tpu.memory_space<hbm>> -> memref<3x3200xf32, #tpu.memory_space<hbm>>
      tpu.wait_dma2 semaphore(%arg14 : memref<!tpu.dma_semaphore, #tpu.memory_space<semaphore_mem>>) src(%dma_wait3A_73 : memref<3x3200xf32, #tpu.memory_space<hbm>>) dst(%arg8 : memref<3x3200xf32, #tpu.memory_space<vmem>>)
      %dma_wait3A_74 = arith.constant 0 : i32
      %dma_wait3A_75 = tpu.memref_slice %arg4[%dma_wait3A_74, %mul3A_46] : memref<4x2000000xf32, #tpu.memory_space<hbm>> -> memref<4x3200xf32, #tpu.memory_space<hbm>>
      %dma_wait3A_76 = arith.constant 0 : i32
      %dma_wait3A_77 = tpu.memref_slice %arg4[%dma_wait3A_76, %mul3A_46] : memref<4x2000000xf32, #tpu.memory_space<hbm>> -> memref<4x3200xf32, #tpu.memory_space<hbm>>
      tpu.wait_dma2 semaphore(%arg14 : memref<!tpu.dma_semaphore, #tpu.memory_space<semaphore_mem>>) src(%dma_wait3A_77 : memref<4x3200xf32, #tpu.memory_space<hbm>>) dst(%arg9 : memref<4x3200xf32, #tpu.memory_space<vmem>>)
      %dma_wait3A_78 = tpu.memref_slice %arg5[%mul3A_46] : memref<2000000xf32, #tpu.memory_space<hbm>> -> memref<3200xf32, #tpu.memory_space<hbm>>
      %dma_wait3A_79 = tpu.memref_slice %arg5[%mul3A_46] : memref<2000000xf32, #tpu.memory_space<hbm>> -> memref<3200xf32, #tpu.memory_space<hbm>>
      tpu.wait_dma2 semaphore(%arg14 : memref<!tpu.dma_semaphore, #tpu.memory_space<semaphore_mem>>) src(%dma_wait3A_79 : memref<3200xf32, #tpu.memory_space<hbm>>) dst(%arg10 : memref<3200xf32, #tpu.memory_space<vmem>>)
      %dma_wait3A_80 = tpu.memref_slice %arg6[%mul3A_46] : memref<2000000xf32, #tpu.memory_space<hbm>> -> memref<3200xf32, #tpu.memory_space<hbm>>
      %dma_wait3A_81 = tpu.memref_slice %arg6[%mul3A_46] : memref<2000000xf32, #tpu.memory_space<hbm>> -> memref<3200xf32, #tpu.memory_space<hbm>>
      tpu.wait_dma2 semaphore(%arg14 : memref<!tpu.dma_semaphore, #tpu.memory_space<semaphore_mem>>) src(%dma_wait3A_81 : memref<3200xf32, #tpu.memory_space<hbm>>) dst(%arg11 : memref<3200xf32, #tpu.memory_space<vmem>>)
      %parallel_loop3A = arith.constant 0 : i32
      %parallel_loop3A_82 = arith.constant 200 : i32
      %parallel_loop3A_83 = arith.constant 1 : i32
      scf.for %parallel_loop3A_102 = %parallel_loop3A to %parallel_loop3A_82 step %parallel_loop3A_83  : i32 {
        %parallel_loop3A_103 = arith.constant 16 : i32
        %parallel_loop3A_104 = arith.muli %parallel_loop3A_103, %parallel_loop3A_102 : i32
        %parallel_loop3A_105 = arith.constant 0 : i32
        %parallel_loop3A_106 = arith.index_cast %parallel_loop3A_105 : i32 to index
        %parallel_loop3A_107 = arith.index_cast %parallel_loop3A_104 : i32 to index
        %parallel_loop3A_108 = tpu.vector_load %arg8[%parallel_loop3A_106, %parallel_loop3A_107] {strides = array<i32>} : memref<3x3200xf32, #tpu.memory_space<vmem>>, vector<16xf32>,
        %parallel_loop3A_109 = math.exp %parallel_loop3A_108 : vector<16xf32>
        %parallel_loop3A_110 = arith.constant 3 : i32
        %parallel_loop3A_111 = arith.index_cast %parallel_loop3A_110 : i32 to index
        %parallel_loop3A_112 = arith.index_cast %parallel_loop3A_104 : i32 to index
        %parallel_loop3A_113 = tpu.vector_load %arg12[%parallel_loop3A_111, %parallel_loop3A_112] {strides = array<i32>} : memref<8x3200xf32, #tpu.memory_space<vmem>>, vector<16xf32>,
        tpu.vector_store %arg12[%parallel_loop3A_111, %parallel_loop3A_112], %parallel_loop3A_109 {strides = array<i32>} : memref<8x3200xf32, #tpu.memory_space<vmem>>, vector<16xf32>,
        %parallel_loop3A_114 = arith.constant 1 : i32
        %parallel_loop3A_115 = arith.index_cast %parallel_loop3A_114 : i32 to index
        %parallel_loop3A_116 = arith.index_cast %parallel_loop3A_104 : i32 to index
        %parallel_loop3A_117 = tpu.vector_load %arg8[%parallel_loop3A_115, %parallel_loop3A_116] {strides = array<i32>} : memref<3x3200xf32, #tpu.memory_space<vmem>>, vector<16xf32>,
        %parallel_loop3A_118 = math.exp %parallel_loop3A_117 : vector<16xf32>
        %parallel_loop3A_119 = arith.constant 4 : i32
        %parallel_loop3A_120 = arith.index_cast %parallel_loop3A_119 : i32 to index
        %parallel_loop3A_121 = arith.index_cast %parallel_loop3A_104 : i32 to index
        %parallel_loop3A_122 = tpu.vector_load %arg12[%parallel_loop3A_120, %parallel_loop3A_121] {strides = array<i32>} : memref<8x3200xf32, #tpu.memory_space<vmem>>, vector<16xf32>,
        tpu.vector_store %arg12[%parallel_loop3A_120, %parallel_loop3A_121], %parallel_loop3A_118 {strides = array<i32>} : memref<8x3200xf32, #tpu.memory_space<vmem>>, vector<16xf32>,
        %parallel_loop3A_123 = arith.constant 2 : i32
        %parallel_loop3A_124 = arith.index_cast %parallel_loop3A_123 : i32 to index
        %parallel_loop3A_125 = arith.index_cast %parallel_loop3A_104 : i32 to index
        %parallel_loop3A_126 = tpu.vector_load %arg8[%parallel_loop3A_124, %parallel_loop3A_125] {strides = array<i32>} : memref<3x3200xf32, #tpu.memory_space<vmem>>, vector<16xf32>,
        %parallel_loop3A_127 = math.exp %parallel_loop3A_126 : vector<16xf32>
        %parallel_loop3A_128 = arith.constant 5 : i32
        %parallel_loop3A_129 = arith.index_cast %parallel_loop3A_128 : i32 to index
        %parallel_loop3A_130 = arith.index_cast %parallel_loop3A_104 : i32 to index
        %parallel_loop3A_131 = tpu.vector_load %arg12[%parallel_loop3A_129, %parallel_loop3A_130] {strides = array<i32>} : memref<8x3200xf32, #tpu.memory_space<vmem>>, vector<16xf32>,
        tpu.vector_store %arg12[%parallel_loop3A_129, %parallel_loop3A_130], %parallel_loop3A_127 {strides = array<i32>} : memref<8x3200xf32, #tpu.memory_space<vmem>>, vector<16xf32>,
        %parallel_loop3A_132 = arith.constant 0 : i32
        %parallel_loop3A_133 = arith.index_cast %parallel_loop3A_132 : i32 to index
        %parallel_loop3A_134 = arith.index_cast %parallel_loop3A_104 : i32 to index
        %parallel_loop3A_135 = tpu.vector_load %arg9[%parallel_loop3A_133, %parallel_loop3A_134] {strides = array<i32>} : memref<4x3200xf32, #tpu.memory_space<vmem>>, vector<16xf32>,
        %parallel_loop3A_136 = arith.constant 6 : i32
        %parallel_loop3A_137 = arith.index_cast %parallel_loop3A_136 : i32 to index
        %parallel_loop3A_138 = arith.index_cast %parallel_loop3A_104 : i32 to index
        %parallel_loop3A_139 = tpu.vector_load %arg12[%parallel_loop3A_137, %parallel_loop3A_138] {strides = array<i32>} : memref<8x3200xf32, #tpu.memory_space<vmem>>, vector<16xf32>,
        tpu.vector_store %arg12[%parallel_loop3A_137, %parallel_loop3A_138], %parallel_loop3A_135 {strides = array<i32>} : memref<8x3200xf32, #tpu.memory_space<vmem>>, vector<16xf32>,
        %parallel_loop3A_140 = arith.constant 1 : i32
        %parallel_loop3A_141 = arith.index_cast %parallel_loop3A_140 : i32 to index
        %parallel_loop3A_142 = arith.index_cast %parallel_loop3A_104 : i32 to index
        %parallel_loop3A_143 = tpu.vector_load %arg9[%parallel_loop3A_141, %parallel_loop3A_142] {strides = array<i32>} : memref<4x3200xf32, #tpu.memory_space<vmem>>, vector<16xf32>,
        %parallel_loop3A_144 = arith.constant 7 : i32
        %parallel_loop3A_145 = arith.index_cast %parallel_loop3A_144 : i32 to index
        %parallel_loop3A_146 = arith.index_cast %parallel_loop3A_104 : i32 to index
        %parallel_loop3A_147 = tpu.vector_load %arg12[%parallel_loop3A_145, %parallel_loop3A_146] {strides = array<i32>} : memref<8x3200xf32, #tpu.memory_space<vmem>>, vector<16xf32>,
        tpu.vector_store %arg12[%parallel_loop3A_145, %parallel_loop3A_146], %parallel_loop3A_143 {strides = array<i32>} : memref<8x3200xf32, #tpu.memory_space<vmem>>, vector<16xf32>,
        %parallel_loop3A_148 = arith.constant 2 : i32
        %parallel_loop3A_149 = arith.index_cast %parallel_loop3A_148 : i32 to index
        %parallel_loop3A_150 = arith.index_cast %parallel_loop3A_104 : i32 to index
        %parallel_loop3A_151 = tpu.vector_load %arg9[%parallel_loop3A_149, %parallel_loop3A_150] {strides = array<i32>} : memref<4x3200xf32, #tpu.memory_space<vmem>>, vector<16xf32>,
        %parallel_loop3A_152 = arith.constant 0 : i32
        %parallel_loop3A_153 = arith.index_cast %parallel_loop3A_152 : i32 to index
        %parallel_loop3A_154 = arith.index_cast %parallel_loop3A_104 : i32 to index
        %parallel_loop3A_155 = tpu.vector_load %arg13[%parallel_loop3A_153, %parallel_loop3A_154] {strides = array<i32>} : memref<4x3200xf32, #tpu.memory_space<vmem>>, vector<16xf32>,
        tpu.vector_store %arg13[%parallel_loop3A_153, %parallel_loop3A_154], %parallel_loop3A_151 {strides = array<i32>} : memref<4x3200xf32, #tpu.memory_space<vmem>>, vector<16xf32>,
        %parallel_loop3A_156 = arith.constant 3 : i32
        %parallel_loop3A_157 = arith.index_cast %parallel_loop3A_156 : i32 to index
        %parallel_loop3A_158 = arith.index_cast %parallel_loop3A_104 : i32 to index
        %parallel_loop3A_159 = tpu.vector_load %arg9[%parallel_loop3A_157, %parallel_loop3A_158] {strides = array<i32>} : memref<4x3200xf32, #tpu.memory_space<vmem>>, vector<16xf32>,
        %parallel_loop3A_160 = arith.constant 1 : i32
        %parallel_loop3A_161 = arith.index_cast %parallel_loop3A_160 : i32 to index
        %parallel_loop3A_162 = arith.index_cast %parallel_loop3A_104 : i32 to index
        %parallel_loop3A_163 = tpu.vector_load %arg13[%parallel_loop3A_161, %parallel_loop3A_162] {strides = array<i32>} : memref<4x3200xf32, #tpu.memory_space<vmem>>, vector<16xf32>,
        tpu.vector_store %arg13[%parallel_loop3A_161, %parallel_loop3A_162], %parallel_loop3A_159 {strides = array<i32>} : memref<4x3200xf32, #tpu.memory_space<vmem>>, vector<16xf32>,
        %parallel_loop3A_164 = arith.index_cast %parallel_loop3A_104 : i32 to index
        %parallel_loop3A_165 = tpu.vector_load %arg10[%parallel_loop3A_164] {strides = array<i32>} : memref<3200xf32, #tpu.memory_space<vmem>>, vector<16xf32>,
        %parallel_loop3A_166 = arith.constant 2 : i32
        %parallel_loop3A_167 = arith.index_cast %parallel_loop3A_166 : i32 to index
        %parallel_loop3A_168 = arith.index_cast %parallel_loop3A_104 : i32 to index
        %parallel_loop3A_169 = tpu.vector_load %arg13[%parallel_loop3A_167, %parallel_loop3A_168] {strides = array<i32>} : memref<4x3200xf32, #tpu.memory_space<vmem>>, vector<16xf32>,
        tpu.vector_store %arg13[%parallel_loop3A_167, %parallel_loop3A_168], %parallel_loop3A_165 {strides = array<i32>} : memref<4x3200xf32, #tpu.memory_space<vmem>>, vector<16xf32>,
        %parallel_loop3A_170 = arith.index_cast %parallel_loop3A_104 : i32 to index
        %parallel_loop3A_171 = tpu.vector_load %arg11[%parallel_loop3A_170] {strides = array<i32>} : memref<3200xf32, #tpu.memory_space<vmem>>, vector<16xf32>,
        %parallel_loop3A_172 = arith.constant 3 : i32
        %parallel_loop3A_173 = arith.index_cast %parallel_loop3A_172 : i32 to index
        %parallel_loop3A_174 = arith.index_cast %parallel_loop3A_104 : i32 to index
        %parallel_loop3A_175 = tpu.vector_load %arg13[%parallel_loop3A_173, %parallel_loop3A_174] {strides = array<i32>} : memref<4x3200xf32, #tpu.memory_space<vmem>>, vector<16xf32>,
        tpu.vector_store %arg13[%parallel_loop3A_173, %parallel_loop3A_174], %parallel_loop3A_171 {strides = array<i32>} : memref<4x3200xf32, #tpu.memory_space<vmem>>, vector<16xf32>,
      } {sc.loop_unroll_factor = 8 : i64, sc.parallel_access}
      %dma_wait3A_84 = arith.constant 0 : i32
      %dma_wait3A_85 = arith.constant 0 : i32
      %dma_wait3A_86 = tpu.memref_slice %arg12[%dma_wait3A_84, %dma_wait3A_85] : memref<8x3200xf32, #tpu.memory_space<vmem>> -> memref<3x3200xf32, #tpu.memory_space<vmem>>
      %dma_wait3A_87 = arith.constant 0 : i32
      %dma_wait3A_88 = tpu.memref_slice %arg2[%dma_wait3A_87, %mul3A_46] : memref<3x2000000xf32, #tpu.memory_space<hbm>> -> memref<3x3200xf32, #tpu.memory_space<hbm>>
      %dma_wait3A_89 = arith.constant 0 : i32
      %dma_wait3A_90 = arith.constant 0 : i32
      %dma_wait3A_91 = tpu.memref_slice %arg12[%dma_wait3A_89, %dma_wait3A_90] : memref<8x3200xf32, #tpu.memory_space<vmem>> -> memref<3x3200xf32, #tpu.memory_space<vmem>>
      %dma_wait3A_92 = arith.constant 0 : i32
      %dma_wait3A_93 = tpu.memref_slice %arg2[%dma_wait3A_92, %mul3A_46] : memref<3x2000000xf32, #tpu.memory_space<hbm>> -> memref<3x3200xf32, #tpu.memory_space<hbm>>
      tpu.wait_dma2 semaphore(%arg15 : memref<!tpu.dma_semaphore, #tpu.memory_space<semaphore_mem>>) src(%dma_wait3A_93 : memref<3x3200xf32, #tpu.memory_space<hbm>>) dst(%dma_wait3A_91 : memref<3x3200xf32, #tpu.memory_space<vmem>>)
      %dma_start3A_94 = arith.constant 0 : i32
      %dma_start3A_95 = tpu.memref_slice %arg7[%dma_start3A_94, %mul3A_46] : memref<12x2000000xf32, #tpu.memory_space<hbm>> -> memref<8x3200xf32, #tpu.memory_space<hbm>>
      %dma_start3A_96 = arith.constant 0 : i32
      %dma_start3A_97 = tpu.memref_slice %arg7[%dma_start3A_96, %mul3A_46] : memref<12x2000000xf32, #tpu.memory_space<hbm>> -> memref<8x3200xf32, #tpu.memory_space<hbm>>
      tpu.enqueue_dma source(%arg12 : memref<8x3200xf32, #tpu.memory_space<vmem>>) target(%dma_start3A_97 : memref<8x3200xf32, #tpu.memory_space<hbm>>) target_semaphore(%arg16 : memref<!tpu.dma_semaphore, #tpu.memory_space<semaphore_mem>>)
      %dma_start3A_98 = arith.constant 8 : i32
      %dma_start3A_99 = tpu.memref_slice %arg7[%dma_start3A_98, %mul3A_46] : memref<12x2000000xf32, #tpu.memory_space<hbm>> -> memref<4x3200xf32, #tpu.memory_space<hbm>>
      %dma_start3A_100 = arith.constant 8 : i32
      %dma_start3A_101 = tpu.memref_slice %arg7[%dma_start3A_100, %mul3A_46] : memref<12x2000000xf32, #tpu.memory_space<hbm>> -> memref<4x3200xf32, #tpu.memory_space<hbm>>
      tpu.enqueue_dma source(%arg13 : memref<4x3200xf32, #tpu.memory_space<vmem>>) target(%dma_start3A_101 : memref<4x3200xf32, #tpu.memory_space<hbm>>) target_semaphore(%arg16 : memref<!tpu.dma_semaphore, #tpu.memory_space<semaphore_mem>>)
    }
    %dma_wait3A = arith.constant 0 : i32
    %dma_wait3A_30 = arith.constant 0 : i32
    %dma_wait3A_31 = tpu.memref_slice %arg7[%dma_wait3A, %dma_wait3A_30] : memref<12x2000000xf32, #tpu.memory_space<hbm>> -> memref<8x3200xf32, #tpu.memory_space<hbm>>
    %dma_wait3A_32 = arith.constant 0 : i32
    %dma_wait3A_33 = arith.constant 0 : i32
    %dma_wait3A_34 = tpu.memref_slice %arg7[%dma_wait3A_32, %dma_wait3A_33] : memref<12x2000000xf32, #tpu.memory_space<hbm>> -> memref<8x3200xf32, #tpu.memory_space<hbm>>
    tpu.wait_dma2 semaphore(%arg16 : memref<!tpu.dma_semaphore, #tpu.memory_space<semaphore_mem>>) src(%arg12 : memref<8x3200xf32, #tpu.memory_space<vmem>>) dst(%dma_wait3A_34 : memref<8x3200xf32, #tpu.memory_space<hbm>>)
    %dma_wait3A_35 = arith.constant 8 : i32
    %dma_wait3A_36 = arith.constant 0 : i32
    %dma_wait3A_37 = tpu.memref_slice %arg7[%dma_wait3A_35, %dma_wait3A_36] : memref<12x2000000xf32, #tpu.memory_space<hbm>> -> memref<4x3200xf32, #tpu.memory_space<hbm>>
    %dma_wait3A_38 = arith.constant 8 : i32
    %dma_wait3A_39 = arith.constant 0 : i32
    %dma_wait3A_40 = tpu.memref_slice %arg7[%dma_wait3A_38, %dma_wait3A_39] : memref<12x2000000xf32, #tpu.memory_space<hbm>> -> memref<4x3200xf32, #tpu.memory_space<hbm>>
    tpu.wait_dma2 semaphore(%arg16 : memref<!tpu.dma_semaphore, #tpu.memory_space<semaphore_mem>>) src(%arg13 : memref<4x3200xf32, #tpu.memory_space<vmem>>) dst(%dma_wait3A_40 : memref<4x3200xf32, #tpu.memory_space<hbm>>)
    return
  }
}

</mosaic_0001>

<sc_bundles>
// kernel: kernel.3.cloned.1.call-start
scs
__scs_entry_jumppad:
0x0: {  	(pc) =	sbr.rel $0x88, $3  }
0x1: {  	(tag) =	ssettag $0x0;
	lr =	simm.s32 $0x1  }
0x2: {  	[smem:$0x3F9C] =	sst lr;
	_ =	strace $0xD0000000  }
0x3: {  	_ = 	snop  }
0x4: {  	_ = 	snop  }
0x5: {  	_ = 	snop  }
0x6: {  	_ = 	snop  }
0x7: {  	_ = 	snop  }
__scs_overlays_trampoline_lowered:
0x8: {  	[smem:$0x3FAB] =	sst s0  }
0x9: {  	[smem:$0x3FAC] =	sst s1  }
0xa: {  	[smem:$0x3FAD] =	sst s2  }
0xb: {  	[smem:$0x3FAE] =	sst s3  }
0xc: {  	[smem:$0x3FAF] =	sst s4  }
0xd: {  	[smem:$0x3FB0] =	sst s5  }
0xe: {  	[smem:$0x3FB1] =	sst s6  }
0xf: {  	[smem:$0x3FB2] =	sst s7  }
0x10: {  	[smem:$0x3FB3] =	sst s8  }
0x11: {  	[smem:$0x3FB4] =	sst s9;
	s0 =	simm.s32 @!p0 $0x0  }
0x12: {  	s1 =	sld [smem:$0x3F9A];
	s0 =	simm.s32 @p0 $0x1  }
0x13: {  	[smem:$0x3FB5] =	sst s0;
	s0 =	simm.s32 @!p1 $0x0  }
0x14: {  	s2 =	sld [smem:$0x3F99];
	s0 =	simm.s32 @p1 $0x1  }
0x15: {  	[smem:$0x3FB6] =	sst s0;
	s0 =	simm.s32 @!p2 $0x0  }
0x16: {  	s3 =	sld [smem:$0x3FDB];
	s0 =	simm.s32 @p2 $0x1  }
0x17: {  	s4 =	simm.s32 $0x1BF5;
	[smem:$0x3FB8] =	sst s0  }
0x18: {  	s0 =	sld [smem:$0x3F9B];
	_ =	swait.ge [sflag:s4], $0x0  }
0x19: {  	s7 =	sld [smem:$0x3F9C]  }
0x1a: {  	s8 =	sadd.s32 $0xFFFFE003, lr  }
0x1b: {  	s9 =	sadd.s32 $0xFFFFFEF7, lr;
	s5 =	simm.s32 $0xFFFFFFFF;
	p2 =	slt.u32 s8, $0xFFFFF086  }
0x1c: {  	p1 =	slt.u32 s9, $0xF7A;
	s5 =	simm.s32 @!p2 $0x0  }
0x1d: {  	s5 =	simm.s32 @p1 $0x1;
	p0 =	seq.s32 s7, s2  }
0x1e: {  	s7 =	smul.u32 @!p0 $0xF7A, s2;
	p2 =	seq.s32 @!p0 s5, $0x0  }
0x1f: {  	s9 =	smul.u32 $0xF7A, s1;
	s8 =	simm.s32 @!p0 $0x1BF5;
	p2 =	por !p2, p0  }
0x20: {  	[sflag:s8] =	ssyncset.s32 @!p0 $0xFFFFF086;
	s6 =	sadd.s32 @!p0 s3, s7;
	s7 =	simm.s32 @!p0 $0x108  }
0x21: {  	s3 =	sadd.s32 s3, s9;
	s6 =	sadd.s32 @!p0 $0x88, s6;
	s7 =	simm.s32 @p2 $0x1082  }
0x22: {  	[simem:s7], [sflag:s8] =	dma.local @!p0 [hbm:s6], $0xF7A  }
0x23: {  	s9 =	sor.u32 $0xD0000000, s2;
	s6 =	simm.s32 $0x108;
	_ =	swait.ge @!p0 [sflag:s8], $0x0  }
0x24: {  	s3 =	sadd.s32 $0x88, s3;
	s6 =	simm.s32 @!p1 $0x1082;
	[sflag:s4] =	ssyncset.s32 $0xFFFFF086  }
0x25: {  	[simem:s6], [sflag:s4] =	dma.local [hbm:s3], $0xF7A  }
0x26: {  	[smem:$0x3F9C] =	sst s1;
	(tag) =	ssettag s2;
	_ =	strace s9  }
0x27: {  	s1 =	sld [smem:$0x3FAC]  }
0x28: {  	s2 =	sld [smem:$0x3FAD]  }
0x29: {  	s4 =	sld [smem:$0x3FAF]  }
0x2a: {  	p0 =	seq.s32 s5, $0x0;
	s5 =	sld [smem:$0x3FB0]  }
0x2b: {  	s6 =	sld [smem:$0x3FB1]  }
0x2c: {  	s7 =	sld [smem:$0x3FB2]  }
0x2d: {  	s3 =	simm.s32 $0x108;
	s8 =	sld [smem:$0x3FB3]  }
0x2e: {  	s3 =	simm.s32 @!p0 $0x1082;
	s9 =	sld [smem:$0x3FB4]  }
0x2f: {  	lr =	sadd.s32 s0, s3;
	s0 =	sld [smem:$0x3FAB]  }
0x30: {  	s3 =	sld [smem:$0x3FAE]  }
0x31: {  	[smem:$0x3FB7] =	sst s10  }
0x32: {  	s10 =	sld [smem:$0x3FB5];
	_ =	sdelay $0x3  }
0x33: {  	p0 =	seq.s32 s10, $0x1;
	s10 =	sld [smem:$0x3FB7];
	_ =	sdelay $0x3  }
0x34: {  	[smem:$0x3FB7] =	sst s10  }
0x35: {  	s10 =	sld [smem:$0x3FB6];
	_ =	sdelay $0x3  }
0x36: {  	p1 =	seq.s32 s10, $0x1;
	s10 =	sld [smem:$0x3FB7];
	_ =	sdelay $0x3  }
0x37: {  	[smem:$0x3FB7] =	sst s10  }
0x38: {  	s10 =	sld [smem:$0x3FB8]  }
0x39: {  	_ = 	snop;
	(pc) =	sbr.ind lr, $3  }
0x3a: {  	_ = 	snop  }
0x3b: {  	_ = 	snop  }
0x3c: {  	p2 =	seq.s32 s10, $0x1;
	s10 =	sld [smem:$0x3FB7]  }
0x3d: {  	_ =	shalt  }
0x3e: {  	_ =	shalt  }
0x3f: {  	_ =	shalt  }
0x40: {  	_ =	shalt  }
0x41: {  	_ =	shalt  }
0x42: {  	_ =	shalt  }
0x43: {  	_ =	shalt  }
0x44: {  	_ =	shalt  }
0x45: {  	_ =	shalt  }
0x46: {  	_ =	shalt  }
0x47: {  	_ =	shalt  }
0x48: {  	_ =	shalt  }
0x49: {  	_ =	shalt  }
0x4a: {  	_ =	shalt  }
0x4b: {  	_ =	shalt  }
0x4c: {  	_ =	shalt  }
0x4d: {  	_ =	shalt  }
0x4e: {  	_ =	shalt  }
0x4f: {  	_ =	shalt  }
0x50: {  	_ =	shalt  }
0x51: {  	_ =	shalt  }
0x52: {  	_ =	shalt  }
0x53: {  	_ =	shalt  }
0x54: {  	_ =	shalt  }
0x55: {  	_ =	shalt  }
0x56: {  	_ =	shalt  }
0x57: {  	_ =	shalt  }
0x58: {  	_ =	shalt  }
0x59: {  	_ =	shalt  }
0x5a: {  	_ =	shalt  }
0x5b: {  	_ =	shalt  }
0x5c: {  	_ =	shalt  }
0x5d: {  	_ =	shalt  }
0x5e: {  	_ =	shalt  }
0x5f: {  	_ =	shalt  }
0x60: {  	_ =	shalt  }
0x61: {  	_ =	shalt  }
0x62: {  	_ =	shalt  }
0x63: {  	_ =	shalt  }
0x64: {  	_ =	shalt  }
0x65: {  	_ =	shalt  }
0x66: {  	_ =	shalt  }
0x67: {  	_ =	shalt  }
0x68: {  	_ =	shalt  }
0x69: {  	_ =	shalt  }
0x6a: {  	_ =	shalt  }
0x6b: {  	_ =	shalt  }
0x6c: {  	_ =	shalt  }
0x6d: {  	_ =	shalt  }
0x6e: {  	_ =	shalt  }
0x6f: {  	_ =	shalt  }
0x70: {  	_ =	shalt  }
0x71: {  	_ =	shalt  }
0x72: {  	_ =	shalt  }
0x73: {  	_ =	shalt  }
0x74: {  	_ =	shalt  }
0x75: {  	_ =	shalt  }
0x76: {  	_ =	shalt  }
0x77: {  	_ =	shalt  }
0x78: {  	_ =	shalt  }
0x79: {  	_ =	shalt  }
0x7a: {  	_ =	shalt  }
0x7b: {  	_ =	shalt  }
0x7c: {  	_ =	shalt  }
0x7d: {  	_ =	shalt  }
0x7e: {  	_ =	shalt  }
0x7f: {  	_ =	shalt  }
0x80: {  	_ =	shalt  }
0x81: {  	_ =	shalt  }
0x82: {  	_ =	shalt  }
0x83: {  	_ =	shalt  }
0x84: {  	_ =	shalt  }
0x85: {  	_ =	shalt  }
0x86: {  	_ =	shalt  }
0x87: {  	_ =	shalt  }
.Lfunc_end0:
.L_simem_size_0:
called_computation_lowered:
.L_overlay_start_0:
0x88: {  	s2 =	sld [smem:$0x3FD9]  }
0x89: {  	s3 =	sld [smem:$0x3FFE];
	_ =	sdelay $0x1  }
0x8a: {  	s1 =	srdreg.scid  }
0x8b: {  	s0 =	sand.u32 $0x1, s1  }
0x8c: {  	s18 =	sshll.u32 s0, $0xA;
	s2 =	sadd.s32 s3, s2  }
0x8d: {  	s2 =	sadd.s32 s2, s18  }
0x8e: {  	[smem:$0x3FC3] =	sst s2  }
0x8f: {  	_ = 	snop  }
0x90: {  	s2 =	sld [smem:$0x3FC9]  }
0x91: {  	s19 =	sld [smem:$0x3FC8]  }
0x92: {  	s4 =	sld [smem:$0x3FC7]  }
0x93: {  	s5 =	sld [smem:$0x3FC6]  }
0x94: {  	s6 =	sld [smem:$0x3FC5]  }
0x95: {  	s7 =	sld [smem:$0x3FD0];
	(tm) =	ssettm $0x1  }
0x96: {  	s8 =	sld [smem:$0x3FFB];
	_ =	sdelay $0x3  }
0x97: {  	_ =	strace s8  }
0x98: {  	s8 =	sld [smem:$0x3FFC];
	_ =	sdelay $0x3  }
0x99: {  	_ =	strace s8  }
0x9a: {  	s8 =	sld [smem:$0x3FFD];
	_ =	sdelay $0x3  }
0x9b: {  	_ =	strace s8  }
0x9c: {  	_ =	strace $0x8FFFFFFF  }
0x9d: {  	s20 =	sld [smem:$0x3FDB];
	_ =	sdelay $0x1  }
0x9e: {  	s9 =	simm.s32 $_scs_section_size  }
0x9f: {  	s10 =	simm.s32 $_size__tile_overlayer_lowered;
	s11 =	simm.s32 $_tile_overlayer_lowered  }
0xa0: {  	s23 =	simm.s32 $0x1BFF;
	s22 =	sshll.u32 s11, $0x1;
	s8 =	sadd.s32 s9, s20  }
0xa1: {  	s12 =	simm.s32 $0x0;
	s21 =	sshll.u32 s10, $0x1;
	s10 =	sadd.s32 s22, s8  }
0xa2: {  	[timem:s12], [sflag:s23] =	dma.local [hbm:s10], s21  }
0xa3: {  	_ =	swait.ge [sflag:s23], s21  }
0xa4: {  	s9 =	ssub.s32 $0x0, s21;
	[sflag:s23] =	ssyncset.done $0x0  }
0xa5: {  	[sflag:s23] =	ssyncadd.s32 s9;
	_ =	sdelay $0x1  }
0xa6: {  	s24 =	simm.s32 $0x1B8B  }
0xa7: {  	_ =	swait.ge [sflag:s24], $0x1  }
0xa8: {  	[sflag:s24] =	ssyncset.done $0x0  }
0xa9: {  	s25 =	simm.s32 $0x1B8E;
	[sflag:s24] =	ssyncadd.s32 $0xFFFFFFFF  }
0xaa: {  	s26 =	simm.s32 $execute0_lowered;
	[smem:$0x3FD2] =	sst s25  }
0xab: {  	s9 =	sshll.u32 s26, $0x1;
	_ =	strace $0x80000046;
	[dreg:$0x1] =	wrdreg $0xFFFFFFFF  }
0xac: {  	s28 =	simm.s32 $_size_execute0_lowered;
	s8 =	sadd.s32 s8, s9;
	[dreg:$0x0] =	wrdreg $0x0  }
0xad: {  	s9 =	sshll.u32 s28, $0x1;
	[dreg:$0x2] =	wrdreg s8  }
0xae: {  	[dreg:$0x3] =	wrdreg s9  }
0xaf: {  	[dreg:$0x4] =	wrdreg $0xC0  }
0xb0: {  	_ =	task [dreg:s12], $0x5FFFF  }
0xb1: {  	[dreg:$0x1] =	wrdreg $0xFFFFFFFF  }
0xb2: {  	[dreg:$0x0] =	wrdreg $0x60  }
0xb3: {  	[dreg:$0x2] =	wrdreg s2  }
0xb4: {  	[dreg:$0x3] =	wrdreg s19  }
0xb5: {  	[dreg:$0x4] =	wrdreg s4  }
0xb6: {  	[dreg:$0x5] =	wrdreg s5  }
0xb7: {  	[dreg:$0x6] =	wrdreg s6  }
0xb8: {  	[dreg:$0x7] =	wrdreg s7  }
0xb9: {  	[dreg:$0x8] =	wrdreg $0x9  }
0xba: {  	_ =	task.clear_ibuf [dreg:s12], $0x9FFFF;
	_ =	strace $0x90000046  }
0xbb: {  	s29 =	simm.s32 $0x9;
	_ =	strace $0x80000048  }
0xbc: {  	_ =	swait.ge [sflag:s29], $0x1  }
0xbd: {  	[sflag:s29] =	ssyncadd.s32 $0xFFFFFFFF  }
0xbe: {  	_ =	strace $0x90000048  }
0xbf: {  	_ =	sfence  }
0xc0: {  	s30 =	sld [smem:$0x0];
	_ =	sdelay $0x2  }
0xc1: {  	s31 =	sshll.u32 s1, $0xD;
	s1 =	sshrl.u32 s1, $0x2  }
0xc2: {  	s3 =	sand.u32 $0x4000, s31;
	s1 =	sadd.s32 s1, s30  }
0xc3: {  	s0 =	sor.u32 s3, s0;
	s1 =	sshll.u32 s1, $0x11  }
0xc4: {  	s0 =	sor.u32 s1, s0  }
0xc5: {  	s0 =	sadd.s32 $0x8F2B, s0  }
0xc6: {  	[sflag:s0] =	ssyncadd.remote.s32 $0x1  }
0xc7: {  	_ =	sfence.sel $0xFFFF  }
0xc8: {  	[dreg:$0x0] =	wrdreg $0xFFFFFFFF;
	(pc) =	sbr.abs _section_cstart, $3  }
0xc9: {  	[dreg:$0x1] =	wrdreg $0xFFFFFFFF  }
0xca: {  	_ =	task.clear_ibuf [dreg:s12], $0x2FFFF;
	_ =	strace $0x9FFFFFFF  }
0xcb: {  	(tm) =	ssettm $0x7FFFFFFF  }
tec
execute0_lowered:
.L_overlay_start_1:
0x0: {  	(tag) =	ssettag $0x1  }
0x1: {  	s0 =	rddreg [dreg:$0x0]  }
0x2: {  	s1 =	rddreg [dreg:$0x1]  }
0x3: {  	s2 =	rddreg [dreg:$0x2]  }
0x4: {  	s5 =	rddreg [dreg:$0x3]  }
0x5: {  	s6 =	rddreg [dreg:$0x4];
	s3 =	srdreg.scid  }
0x6: {  	s7 =	rddreg [dreg:$0x5];
	s8 =	stileid.u32;
	s12 =	simm.s32 $0x3200  }
0x7: {  	s13 =	simm.s32 $0x6400;
	s14 =	simm.s32 $0x7080;
	s15 =	simm.s32 $0x200  }
0x8: {  	s16 =	simm.s32 $0x7A1200;
	s17 =	simm.s32 $0x1;
	s18 =	simm.s32 $0x2  }
0x9: {  	s19 =	simm.s32 $0x7D00;
	s20 =	simm.s32 $0x400;
	s3 =	sand.u32 $0x1, s3  }
0xa: {  	s21 =	simm.s32 $0xE100;
	s22 =	simm.s32 $0x3;
	s4 =	ssub.s32 $0x2, s3  }
0xb: {  	s23 =	simm.s32 $0x0;
	s9 =	sshll.u32 s8, $0x1;
	s10 =	sshrl.u32 s4, $0x1  }
0xc: {  	s8 =	simm.s32 $0x0;
	s9 =	sor.u32 s9, s3;
	s30 =	ssub.s32 s4, s10  }
0xd: {  	[smem:$0x7FF] =	sst s8;
	s31 =	ssub.s32 $0x270, s9;
	s3 =	smax.u32 s30, $0x1  }
0xe: {  	_ =	strace $0x80000047;
	s10 =	sshrl.u32 s31, $0x5;
	[dreg:$0x7] =	wrdreg s3  }
.LBB2_1:
0xf: {  	s24 =	simm.s32 $0x0  }
.LBB2_2:
0x10: {  	s3 =	sshll.u32 s24, $0x5  }
0x11: {  	s25 =	sor.u32 s9, s3  }
0x12: {  	s3 =	smul.u32 $0x3200, s25;
	_ =	sdelay $0x1  }
0x13: {  	s3 =	sshrl.u32 s3, $0x3  }
0x14: {  	s30 =	smul.u32 $0xC80, s25;
	s4 =	sadd.s32 s1, s3  }
0x15: {  	[tilespmem:s8], [sflag:$0x1] =	stream.linear.gather [hbm4b:s4+s8], $0x3200, $0x38;
	[tilespmem:$0x11300] =	vst v63  }
0x16: {  	s11 =	sadd.s32 s2, s3;
	s4 =	sshrl.u32 s30, $0x3  }
0x17: {  	[tilespmem:s12], [sflag:$0x1] =	stream.linear.gather [hbm4b:s11+s8], $0x3200, $0x38;
	[tilespmem:$0x11300] =	vst v63  }
0x18: {  	s31 =	sadd.s32 s5, s4  }
0x19: {  	[tilespmem:s13], [sflag:$0x1] =	stream.linear.gather [hbm4b:s31+s8], $0xC80, $0x38;
	[tilespmem:$0x11300] =	vst v63  }
0x1a: {  	p0 =	seq.s32 s24, $0x0;
	s4 =	sadd.s32 s6, s4  }
0x1b: {  	[tilespmem:s14], [sflag:$0x1] =	stream.linear.gather [hbm4b:s4+s8], $0xC80, $0x38;
	[tilespmem:$0x11300] =	vst v63  }
0x1c: {  	s4 =	simm.s32 @!p0 $0x3  }
0x1d: {  	_ =	swait.ge @!p0 [sflag:s4], $0x6400  }
0x1e: {  	[sflag:s4] =	ssyncset.done @!p0 $0x0  }
0x1f: {  	[sflag:s4] =	ssyncadd.s32 @!p0 $0xFFFF9C00  }
0x20: {  	s3 =	sadd.s32 s0, s3;
	_ =	swait.ge @!p0 [sflag:s4], $0x3200  }
0x21: {  	s26 =	simm.s32 $0x8100;
	s28 =	sadd.s32 $0x0, s3;
	[sflag:s4] =	ssyncset.done @!p0 $0x0  }
0x22: {  	s11 =	simm.s32 $0x40;
	[sflag:s4] =	ssyncadd.s32 @!p0 $0xFFFFCE00;
	s4 =	simm.s32 $0x7D00  }
.LBB2_3:
0x23: {  	[tilespmem:s4], [sflag:$0x2] =	stream.strided.gather [hbm4b:s28+s15], $0x0, s16, s15, $0x38;
	[tilespmem:$0x11300] =	vst v63  }
0x24: {  	s28 =	smov.u32 s11;
	s4 =	smov.u32 s26;
	p0 =	seq.s32 s11, $0x600  }
.Ltmp0:
0x25: {  	s11 =	sadd.s32 $0x40, s11;
	(pc) =	sbr.rel @!p0 .LBB2_3-.Ltmp0, $2  }
0x26: {  	_ =	sdelay $0x2  }
0x27: {  	s26 =	sadd.s32 $0x400, s26;
	s28 =	sadd.s32 s28, s3  }
0x28: {  	[tilespmem:s4], [sflag:$0x2] =	stream.strided.gather [hbm4b:s28+s15], $0x0, s16, s15, $0x38;
	[tilespmem:$0x11300] =	vst v63  }
0x29: {  	s4 =	simm.s32 $0x7D00  }
0x2a: {  	s11 =	simm.s32 $0x40;
	s28 =	sadd.s32 $0x0, s3;
	s26 =	simm.s32 $0x8100  }
.LBB2_5:
0x2b: {  	[tilespmem:s4], [sflag:$0x2] =	stream.linear.gather [hbm4b:s28+s8], $0x180, $0x38;
	[tilespmem:$0x11300] =	vst v63  }
0x2c: {  	s28 =	smov.u32 s11;
	s4 =	smov.u32 s26;
	p0 =	sne.s32 s11, $0x600  }
.Ltmp1:
0x2d: {  	s11 =	sadd.s32 $0x40, s11;
	(pc) =	sbr.rel @p0 .LBB2_5-.Ltmp1, $2  }
0x2e: {  	_ =	sdelay $0x2  }
0x2f: {  	s26 =	sadd.s32 $0x400, s26;
	s28 =	sadd.s32 s28, s3  }
0x30: {  	[tilespmem:s4], [sflag:$0x2] =	stream.linear.gather [hbm4b:s28+s8], $0x180, $0x38;
	[tilespmem:$0x11300] =	vst v63  }
0x31: {  	_ =	swait.ge [sflag:s17], $0x3200  }
0x32: {  	[sflag:s17] =	ssyncset.done $0x0  }
0x33: {  	[sflag:s17] =	ssyncadd.s32 $0xFFFFCE00  }
0x34: {  	_ =	swait.ge [sflag:s17], $0x3200  }
0x35: {  	[sflag:s17] =	ssyncset.done $0x0  }
0x36: {  	[sflag:s17] =	ssyncadd.s32 $0xFFFFCE00  }
0x37: {  	_ =	swait.ge [sflag:s17], $0xC80  }
0x38: {  	[sflag:s17] =	ssyncset.done $0x0  }
0x39: {  	[sflag:s17] =	ssyncadd.s32 $0xFFFFF380  }
0x3a: {  	_ =	swait.ge [sflag:s17], $0xC80  }
0x3b: {  	[sflag:s17] =	ssyncset.done $0x0  }
0x3c: {  	s26 =	simm.s32 $0xC0;
	[sflag:s17] =	ssyncadd.s32 $0xFFFFF380  }
0x3d: {  	v0 =	vld [tilespmem:s26+$0xFFFFFFB0]  }
0x3e: {  	v1 =	vld [tilespmem:s26+$0xFFFFFF50]  }
0x3f: {  	v2 =	vld [tilespmem:s26+$0xFFFFFF60];
	_ =	sdelay $0x1  }
0x40: {  	v3 =	vld [tilespmem:s26+$0xFFFFFF70]  }
0x41: {  	v4 =	vld [tilespmem:s26+$0xFFFFFF80];
	v0 =	vmul.f32 $1.442695020e+00, v0  }
0x42: {  	v5 =	vld [tilespmem:s26+$0xFFFFFF90];
	v1 =	vmul.f32 $1.442695020e+00, v1  }
0x43: {  	(erf) = vpow2.f32 v0;
	v0 =	vmul.f32 $1.442695020e+00, v2;
	v2 =	vld [tilespmem:s26+$0xFFFFFFA0]  }
0x44: {  	v6 =	vld [tilespmem:s26+$0xFFFFFF40]  }
0x45: {  	v3 =	vmul.f32 $1.442695020e+00, v3;
	(erf) = vpow2.f32 v1  }
0x46: {  	v1 =	vmul.f32 $1.442695020e+00, v4;
	(erf) = vpow2.f32 v0  }
0x47: {  	v0 =	vmul.f32 $1.442695020e+00, v5;
	(erf) = vpow2.f32 v3  }
0x48: {  	(erf) = vpow2.f32 v1;
	v1 =	vmul.f32 $1.442695020e+00, v2  }
0x49: {  	(erf) = vpow2.f32 v0;
	v0 =	vmul.f32 $1.442695020e+00, v6  }
0x4a: {  	(erf) = vpow2.f32 v1  }
0x4b: {  	(erf) = vpow2.f32 v0;
	_ =	sdelay $0x1  }
0x4c: {  	s3 =	simm.s32 $0x7F00;
	v0 =	vpop (erf)  }
0x4d: {  	[tilespmem:s3+$0xFFFFFFF0] =	vst v0;
	v0 =	vpop (erf)  }
0x4e: {  	[tilespmem:s3+$0xFFFFFF90] =	vst v0;
	v0 =	vld [tilespmem:s26+$0x30];
	v1 =	vpop (erf)  }
0x4f: {  	v2 =	vld [tilespmem:s26+$0xFFFFFFD0];
	[tilespmem:s3+$0xFFFFFFA0] =	vst v1;
	v1 =	vpop (erf)  }
0x50: {  	v3 =	vld [tilespmem:s26+$0xFFFFFFE0];
	[tilespmem:s3+$0xFFFFFFB0] =	vst v1;
	v1 =	vpop (erf)  }
0x51: {  	v4 =	vld [tilespmem:s26+$0xFFFFFFF0];
	[tilespmem:s3+$0xFFFFFFC0] =	vst v1;
	v1 =	vpop (erf)  }
0x52: {  	v5 =	vld [tilespmem:s26+$0x0];
	[tilespmem:s3+$0xFFFFFFD0] =	vst v1;
	v6 =	vpop (erf)  }
0x53: {  	v1 =	vld [tilespmem:s26+$0x10];
	v0 =	vmul.f32 $1.442695020e+00, v0;
	[tilespmem:s3+$0xFFFFFFE0] =	vst v6;
	v6 =	vpop (erf)  }
0x54: {  	v2 =	vmul.f32 $1.442695020e+00, v2;
	[tilespmem:s3+$0xFFFFFF80] =	vst v6;
	v6 =	vld [tilespmem:s26+$0x20]  }
0x55: {  	v3 =	vmul.f32 $1.442695020e+00, v3;
	(erf) = vpow2.f32 v0;
	v0 =	vld [tilespmem:s26+$0xFFFFFFC0]  }
0x56: {  	v4 =	vmul.f32 $1.442695020e+00, v4;
	(erf) = vpow2.f32 v2  }
0x57: {  	v2 =	vmul.f32 $1.442695020e+00, v5;
	(erf) = vpow2.f32 v3  }
0x58: {  	v1 =	vmul.f32 $1.442695020e+00, v1;
	(erf) = vpow2.f32 v4  }
0x59: {  	(erf) = vpow2.f32 v2;
	v2 =	vmul.f32 $1.442695020e+00, v6  }
0x5a: {  	(erf) = vpow2.f32 v1;
	v0 =	vmul.f32 $1.442695020e+00, v0  }
0x5b: {  	(erf) = vpow2.f32 v2  }
0x5c: {  	(erf) = vpow2.f32 v0;
	_ =	sdelay $0x1  }
0x5d: {  	v0 =	vpop (erf)  }
0x5e: {  	[tilespmem:s3+$0x70] =	vst v0;
	v0 =	vpop (erf)  }
0x5f: {  	[tilespmem:s3+$0x10] =	vst v0;
	v0 =	vld [tilespmem:s26+$0xB0];
	v1 =	vpop (erf)  }
0x60: {  	v2 =	vld [tilespmem:s26+$0x50];
	[tilespmem:s3+$0x20] =	vst v1;
	v1 =	vpop (erf)  }
0x61: {  	v3 =	vld [tilespmem:s26+$0x60];
	[tilespmem:s3+$0x30] =	vst v1;
	v1 =	vpop (erf)  }
0x62: {  	v4 =	vld [tilespmem:s26+$0x70];
	[tilespmem:s3+$0x40] =	vst v1;
	v1 =	vpop (erf)  }
0x63: {  	v5 =	vld [tilespmem:s26+$0x80];
	[tilespmem:s3+$0x50] =	vst v1;
	v6 =	vpop (erf)  }
0x64: {  	v1 =	vld [tilespmem:s26+$0x90];
	v0 =	vmul.f32 $1.442695020e+00, v0;
	[tilespmem:s3+$0x60] =	vst v6;
	v6 =	vpop (erf)  }
0x65: {  	v2 =	vmul.f32 $1.442695020e+00, v2;
	[tilespmem:s3+$0x0] =	vst v6;
	v6 =	vld [tilespmem:s26+$0xA0]  }
0x66: {  	v3 =	vmul.f32 $1.442695020e+00, v3;
	(erf) = vpow2.f32 v0;
	v0 =	vld [tilespmem:s26+$0x40]  }
0x67: {  	v4 =	vmul.f32 $1.442695020e+00, v4;
	(erf) = vpow2.f32 v2  }
0x68: {  	v2 =	vmul.f32 $1.442695020e+00, v5;
	(erf) = vpow2.f32 v3  }
0x69: {  	(erf) = vpow2.f32 v4  }
0x6a: {  	v1 =	vmul.f32 $1.442695020e+00, v1;
	(erf) = vpow2.f32 v2  }
0x6b: {  	v2 =	vmul.f32 $1.442695020e+00, v6;
	v0 =	vmul.f32 $1.442695020e+00, v0  }
0x6c: {  	(erf) = vpow2.f32 v1  }
0x6d: {  	(erf) = vpow2.f32 v2;
	_ =	sdelay $0x1  }
0x6e: {  	s11 =	simm.s32 $0x2C0;
	(erf) = vpow2.f32 v0;
	v0 =	vpop (erf)  }
0x6f: {  	s4 =	simm.s32 $0x3300;
	v8 =	vld [tilespmem:s11+$0xFFFFFFB0];
	[tilespmem:s3+$0xF0] =	vst v0;
	v0 =	vpop (erf)  }
0x70: {  	[tilespmem:s3+$0x90] =	vst v0;
	v0 =	vld [tilespmem:s4+$0xFFFFFF70]  }
0x71: {  	v9 =	vld [tilespmem:s11+$0xFFFFFF50];
	v1 =	vpop (erf)  }
0x72: {  	v10 =	vld [tilespmem:s11+$0xFFFFFF60];
	[tilespmem:s3+$0xA0] =	vst v1;
	v1 =	vpop (erf)  }
0x73: {  	v11 =	vld [tilespmem:s11+$0xFFFFFF70];
	[tilespmem:s3+$0xB0] =	vst v1;
	v1 =	vpop (erf)  }
0x74: {  	v12 =	vld [tilespmem:s11+$0xFFFFFF80];
	[tilespmem:s3+$0xC0] =	vst v1;
	v1 =	vpop (erf)  }
0x75: {  	v13 =	vld [tilespmem:s11+$0xFFFFFF90];
	[tilespmem:s3+$0x170] =	vst v0;
	v0 =	vpop (erf)  }
0x76: {  	v8 =	vmul.f32 $1.442695020e+00, v8;
	[tilespmem:s3+$0xE0] =	vst v0;
	v0 =	vld [tilespmem:s4+$0xFFFFFFF0]  }
0x77: {  	v2 =	vld [tilespmem:s4+$0xFFFFFF10]  }
0x78: {  	(erf) = vpow2.f32 v8;
	v8 =	vld [tilespmem:s11+$0xFFFFFFA0]  }
0x79: {  	v3 =	vld [tilespmem:s4+$0xFFFFFF20]  }
0x7a: {  	v4 =	vld [tilespmem:s4+$0xFFFFFF30];
	[tilespmem:s3+$0xD0] =	vst v1  }
0x7b: {  	v5 =	vld [tilespmem:s4+$0xFFFFFF40];
	[tilespmem:s3+$0x1F0] =	vst v0  }
0x7c: {  	v6 =	vpop (erf);
	[tilespmem:s3+$0x110] =	vst v2;
	v0 =	vld [tilespmem:s4+$0x70]  }
0x7d: {  	v1 =	vld [tilespmem:s4+$0xFFFFFF50];
	[tilespmem:s3+$0x80] =	vst v6  }
0x7e: {  	v6 =	vld [tilespmem:s4+$0xFFFFFF60];
	[tilespmem:s3+$0x120] =	vst v3  }
0x7f: {  	v7 =	vld [tilespmem:s4+$0xFFFFFF00];
	[tilespmem:s3+$0x130] =	vst v4  }
0x80: {  	s26 =	simm.s32 $0xE200;
	v2 =	vld [tilespmem:s4+$0xFFFFFF90];
	[tilespmem:s3+$0x140] =	vst v5  }
0x81: {  	v3 =	vld [tilespmem:s4+$0xFFFFFFA0];
	[tilespmem:s26+$0xFFFFFF70] =	vst v0  }
0x82: {  	[tilespmem:s3+$0x150] =	vst v1;
	v0 =	vld [tilespmem:s4+$0xF0]  }
0x83: {  	v4 =	vld [tilespmem:s4+$0xFFFFFFB0];
	[tilespmem:s3+$0x160] =	vst v6  }
0x84: {  	v5 =	vld [tilespmem:s4+$0xFFFFFFC0];
	[tilespmem:s3+$0x100] =	vst v7  }
0x85: {  	[tilespmem:s3+$0x190] =	vst v2;
	v7 =	vld [tilespmem:s4+$0xFFFFFF80]  }
0x86: {  	v6 =	vld [tilespmem:s4+$0xFFFFFFE0];
	[tilespmem:s3+$0x1A0] =	vst v3  }
0x87: {  	s28 =	simm.s32 $0x6440;
	v1 =	vld [tilespmem:s4+$0xFFFFFFD0];
	[tilespmem:s26+$0xFFFFFFF0] =	vst v0  }
0x88: {  	[tilespmem:s3+$0x1B0] =	vst v4;
	v0 =	vmul.f32 $1.442695020e+00, v9;
	v2 =	vld [tilespmem:s28+$0x30]  }
0x89: {  	v3 =	vmul.f32 $1.442695020e+00, v10;
	[tilespmem:s3+$0x1C0] =	vst v5;
	v5 =	vld [tilespmem:s4+$0x10]  }
0x8a: {  	[tilespmem:s3+$0x180] =	vst v7;
	v7 =	vld [tilespmem:s11+$0xFFFFFF40];
	v9 =	vmul.f32 $1.442695020e+00, v11;
	(erf) = vpow2.f32 v0  }
0x8b: {  	[tilespmem:s3+$0x1E0] =	vst v6;
	v6 =	vld [tilespmem:s4+$0x30];
	v0 =	vmul.f32 $1.442695020e+00, v12;
	(erf) = vpow2.f32 v3  }
0x8c: {  	v4 =	vmul.f32 $1.442695020e+00, v13;
	v3 =	vld [tilespmem:s4+$0x0];
	(erf) = vpow2.f32 v9  }
0x8d: {  	s29 =	simm.s32 $0x70C0;
	(erf) = vpow2.f32 v0;
	[tilespmem:s26+$0x70] =	vst v2  }
0x8e: {  	[tilespmem:s3+$0x1D0] =	vst v1;
	v1 =	vmul.f32 $1.442695020e+00, v8;
	(erf) = vpow2.f32 v4;
	v2 =	vld [tilespmem:s29+$0x30]  }
0x8f: {  	[tilespmem:s26+$0xFFFFFF10] =	vst v5;
	v0 =	vld [tilespmem:s4+$0x20];
	v4 =	vmul.f32 $1.442695020e+00, v7  }
0x90: {  	[tilespmem:s26+$0xFFFFFF30] =	vst v6;
	(erf) = vpow2.f32 v1;
	v1 =	vld [tilespmem:s4+$0x40]  }
0x91: {  	s30 =	simm.s32 $0x8300;
	[tilespmem:s26+$0xFFFFFF00] =	vst v3;
	(erf) = vpow2.f32 v4;
	v3 =	vpop (erf);
	v4 =	vld [tilespmem:s4+$0x50]  }
0x92: {  	[tilespmem:s30+$0xFFFFFFF0] =	vst v3;
	v3 =	vld [tilespmem:s4+$0x60]  }
0x93: {  	v7 =	vld [tilespmem:s4+$0x80];
	v5 =	vpop (erf);
	[tilespmem:s26+$0xF0] =	vst v2  }
0x94: {  	[tilespmem:s30+$0xFFFFFF90] =	vst v5;
	v2 =	vld [tilespmem:s11+$0x30];
	v5 =	vpop (erf)  }
0x95: {  	v8 =	vld [tilespmem:s11+$0xFFFFFFD0];
	[tilespmem:s30+$0xFFFFFFA0] =	vst v5;
	v5 =	vpop (erf)  }
0x96: {  	v9 =	vld [tilespmem:s11+$0xFFFFFFE0];
	[tilespmem:s30+$0xFFFFFFB0] =	vst v5;
	v5 =	vpop (erf)  }
0x97: {  	v10 =	vld [tilespmem:s11+$0xFFFFFFF0];
	[tilespmem:s30+$0xFFFFFFC0] =	vst v5;
	v5 =	vpop (erf)  }
0x98: {  	v11 =	vld [tilespmem:s11+$0x0];
	[tilespmem:s30+$0xFFFFFFD0] =	vst v5  }
0x99: {  	[tilespmem:s26+$0xFFFFFF20] =	vst v0;
	v12 =	vpop (erf);
	v5 =	vld [tilespmem:s11+$0x10];
	v2 =	vmul.f32 $1.442695020e+00, v2  }
0x9a: {  	v6 =	vld [tilespmem:s4+$0xA0];
	[tilespmem:s30+$0xFFFFFFE0] =	vst v12;
	v0 =	vmul.f32 $1.442695020e+00, v8;
	v8 =	vpop (erf)  }
0x9b: {  	[tilespmem:s30+$0xFFFFFF80] =	vst v8;
	v8 =	vmul.f32 $1.442695020e+00, v9;
	v9 =	vld [tilespmem:s11+$0x20];
	(erf) = vpow2.f32 v2  }
0x9c: {  	v2 =	vld [tilespmem:s11+$0xFFFFFFC0];
	v10 =	vmul.f32 $1.442695020e+00, v10;
	(erf) = vpow2.f32 v0  }
0x9d: {  	[tilespmem:s26+$0xFFFFFF40] =	vst v1;
	v12 =	vld [tilespmem:s4+$0x90];
	v0 =	vmul.f32 $1.442695020e+00, v11;
	(erf) = vpow2.f32 v8  }
0x9e: {  	[tilespmem:s26+$0xFFFFFF50] =	vst v4;
	v1 =	vmul.f32 $1.442695020e+00, v5;
	(erf) = vpow2.f32 v10;
	v5 =	vld [tilespmem:s4+$0xB0]  }
0x9f: {  	[tilespmem:s26+$0xFFFFFF60] =	vst v3;
	(erf) = vpow2.f32 v0;
	v0 =	vld [tilespmem:s4+$0xC0]  }
0xa0: {  	v4 =	vld [tilespmem:s4+$0xE0];
	[tilespmem:s26+$0xFFFFFFA0] =	vst v6;
	v3 =	vmul.f32 $1.442695020e+00, v9;
	(erf) = vpow2.f32 v1  }
0xa1: {  	[tilespmem:s26+$0xFFFFFF80] =	vst v7;
	v6 =	vld [tilespmem:s28+$0xFFFFFFE0];
	v2 =	vmul.f32 $1.442695020e+00, v2  }
0xa2: {  	[tilespmem:s26+$0xFFFFFF90] =	vst v12;
	v1 =	vld [tilespmem:s4+$0xD0];
	(erf) = vpow2.f32 v3  }
0xa3: {  	v3 =	vld [tilespmem:s28+$0xFFFFFFC0];
	(erf) = vpow2.f32 v2;
	[tilespmem:s26+$0xFFFFFFB0] =	vst v5  }
0xa4: {  	v2 =	vld [tilespmem:s28+$0xFFFFFFD0];
	v5 =	vpop (erf);
	[tilespmem:s26+$0xFFFFFFC0] =	vst v0  }
0xa5: {  	[tilespmem:s30+$0x70] =	vst v5;
	v0 =	vpop (erf);
	v5 =	vld [tilespmem:s28+$0xFFFFFFF0]  }
0xa6: {  	[tilespmem:s30+$0x10] =	vst v0;
	v0 =	vld [tilespmem:s11+$0xB0];
	v7 =	vpop (erf)  }
0xa7: {  	v8 =	vld [tilespmem:s11+$0x50];
	[tilespmem:s30+$0x20] =	vst v7;
	v7 =	vpop (erf)  }
0xa8: {  	v9 =	vld [tilespmem:s11+$0x60];
	[tilespmem:s30+$0x30] =	vst v7;
	v7 =	vpop (erf)  }
0xa9: {  	v10 =	vld [tilespmem:s11+$0x70];
	[tilespmem:s30+$0x40] =	vst v7;
	v7 =	vpop (erf)  }
0xaa: {  	v11 =	vld [tilespmem:s11+$0x80];
	[tilespmem:s30+$0x50] =	vst v7  }
0xab: {  	[tilespmem:s26+$0xFFFFFFD0] =	vst v1;
	v7 =	vld [tilespmem:s11+$0x90];
	v0 =	vmul.f32 $1.442695020e+00, v0;
	v12 =	vpop (erf)  }
0xac: {  	v1 =	vmul.f32 $1.442695020e+00, v8;
	[tilespmem:s30+$0x60] =	vst v12;
	v8 =	vpop (erf);
	v12 =	vld [tilespmem:s28+$0x0]  }
0xad: {  	[tilespmem:s30+$0x0] =	vst v8;
	v8 =	vmul.f32 $1.442695020e+00, v9;
	v9 =	vld [tilespmem:s11+$0xA0];
	(erf) = vpow2.f32 v0  }
0xae: {  	[tilespmem:s26+$0xFFFFFFE0] =	vst v4;
	v0 =	vld [tilespmem:s11+$0x40];
	v10 =	vmul.f32 $1.442695020e+00, v10;
	(erf) = vpow2.f32 v1  }
0xaf: {  	[tilespmem:s26+$0x20] =	vst v6;
	v1 =	vmul.f32 $1.442695020e+00, v11;
	(erf) = vpow2.f32 v8;
	v8 =	vld [tilespmem:s28+$0x10]  }
0xb0: {  	[tilespmem:s26+$0x0] =	vst v3;
	v3 =	vmul.f32 $1.442695020e+00, v7;
	(erf) = vpow2.f32 v10;
	v7 =	vld [tilespmem:s28+$0x20]  }
0xb1: {  	[tilespmem:s26+$0x10] =	vst v2;
	(erf) = vpow2.f32 v1;
	v1 =	vld [tilespmem:s29+$0xFFFFFFC0]  }
0xb2: {  	v4 =	vld [tilespmem:s29+$0xFFFFFFE0];
	[tilespmem:s26+$0x30] =	vst v5;
	v2 =	vmul.f32 $1.442695020e+00, v9;
	(erf) = vpow2.f32 v3  }
0xb3: {  	v5 =	vld [tilespmem:s29+$0xFFFFFFF0];
	[tilespmem:s26+$0x40] =	vst v12;
	v0 =	vmul.f32 $1.442695020e+00, v0  }
0xb4: {  	v3 =	vld [tilespmem:s29+$0xFFFFFFD0];
	(erf) = vpow2.f32 v2;
	[tilespmem:s26+$0x50] =	vst v8  }
0xb5: {  	v2 =	vld [tilespmem:s29+$0x0];
	(erf) = vpow2.f32 v0;
	[tilespmem:s26+$0x60] =	vst v7  }
0xb6: {  	v0 =	vld [tilespmem:s29+$0x10];
	v6 =	vpop (erf);
	[tilespmem:s26+$0x80] =	vst v1  }
0xb7: {  	s31 =	simm.s32 $0x3500;
	v1 =	vld [tilespmem:s29+$0x20];
	[tilespmem:s30+$0xF0] =	vst v6;
	v6 =	vpop (erf)  }
0xb8: {  	[tilespmem:s30+$0x90] =	vst v6;
	v6 =	vld [tilespmem:s31+$0xFFFFFF70];
	v7 =	vpop (erf)  }
0xb9: {  	v8 =	vld [tilespmem:s31+$0xFFFFFF10];
	[tilespmem:s30+$0xA0] =	vst v7;
	v7 =	vpop (erf)  }
0xba: {  	v9 =	vld [tilespmem:s31+$0xFFFFFF20];
	[tilespmem:s30+$0xB0] =	vst v7;
	v7 =	vpop (erf)  }
0xbb: {  	v10 =	vld [tilespmem:s31+$0xFFFFFF30];
	[tilespmem:s30+$0xC0] =	vst v7;
	v7 =	vpop (erf)  }
0xbc: {  	v11 =	vld [tilespmem:s31+$0xFFFFFF40];
	[tilespmem:s30+$0xD0] =	vst v7  }
0xbd: {  	v13 =	vld [tilespmem:s31+$0xFFFFFF50];
	[tilespmem:s30+$0x170] =	vst v6;
	v6 =	vpop (erf)  }
0xbe: {  	[tilespmem:s30+$0xE0] =	vst v6;
	v12 =	vld [tilespmem:s31+$0xFFFFFFF0];
	v6 =	vpop (erf)  }
0xbf: {  	[tilespmem:s30+$0x80] =	vst v6;
	v14 =	vld [tilespmem:s31+$0xFFFFFF60]  }
0xc0: {  	[tilespmem:s30+$0x110] =	vst v8;
	v15 =	vld [tilespmem:s31+$0xFFFFFF00]  }
0xc1: {  	v8 =	vld [tilespmem:s31+$0xFFFFFF90];
	[tilespmem:s30+$0x120] =	vst v9  }
0xc2: {  	v7 =	vld [tilespmem:s31+$0xFFFFFFA0];
	[tilespmem:s30+$0x130] =	vst v10  }
0xc3: {  	v6 =	vld [tilespmem:s31+$0xFFFFFFB0];
	[tilespmem:s30+$0x1F0] =	vst v12  }
0xc4: {  	[tilespmem:s30+$0x140] =	vst v11;
	v12 =	vld [tilespmem:s31+$0x70]  }
0xc5: {  	v9 =	vld [tilespmem:s31+$0xFFFFFFC0];
	[tilespmem:s30+$0x100] =	vst v15  }
0xc6: {  	[tilespmem:s30+$0x150] =	vst v13;
	v11 =	vld [tilespmem:s31+$0xFFFFFF80]  }
0xc7: {  	v10 =	vld [tilespmem:s31+$0xFFFFFFD0];
	[tilespmem:s30+$0x160] =	vst v14  }
0xc8: {  	s3 =	simm.s32 $0xE400;
	s4 =	simm.s32 $0x8;
	s11 =	simm.s32 $0x4C0;
	[tilespmem:s30+$0x190] =	vst v8;
	v8 =	vld [tilespmem:s31+$0xFFFFFFE0]  }
.LBB2_7:
0xc9: {  	v13 =	vld [tilespmem:s11+$0xFFFFFFB0];
	[tilespmem:s3+$0xFFFFFF70] =	vst v12  }
0xca: {  	s4 =	sadd.s32 $0x8, s4;
	[tilespmem:s30+$0x1A0] =	vst v7;
	v7 =	vld [tilespmem:s31+$0xF0]  }
0xcb: {  	p0 =	slt.u32 s4, $0xC0;
	v12 =	vld [tilespmem:s11+$0xFFFFFF50];
	[tilespmem:s30+$0x180] =	vst v11  }
0xcc: {  	v11 =	vld [tilespmem:s11+$0xFFFFFF60];
	[tilespmem:s30+$0x1B0] =	vst v6  }
0xcd: {  	v6 =	vld [tilespmem:s11+$0xFFFFFF70];
	[tilespmem:s30+$0x1C0] =	vst v9  }
0xce: {  	v9 =	vld [tilespmem:s11+$0xFFFFFF80];
	v13 =	vmul.f32 $1.442695020e+00, v13;
	[tilespmem:s30+$0x1D0] =	vst v10  }
0xcf: {  	s28 =	sadd.s32 $0x80, s28;
	v10 =	vld [tilespmem:s11+$0xFFFFFF90];
	[tilespmem:s3+$0xFFFFFFF0] =	vst v7  }
0xd0: {  	v7 =	vmul.f32 $1.442695020e+00, v12;
	(erf) = vpow2.f32 v13;
	[tilespmem:s30+$0x1E0] =	vst v8;
	v8 =	vld [tilespmem:s28+$0x30]  }
0xd1: {  	v11 =	vmul.f32 $1.442695020e+00, v11;
	v12 =	vld [tilespmem:s11+$0xFFFFFFA0];
	[tilespmem:s26+$0x90] =	vst v3  }
0xd2: {  	v3 =	vld [tilespmem:s11+$0xFFFFFF40];
	v6 =	vmul.f32 $1.442695020e+00, v6;
	(erf) = vpow2.f32 v7;
	[tilespmem:s26+$0xA0] =	vst v4  }
0xd3: {  	v4 =	vmul.f32 $1.442695020e+00, v9;
	(erf) = vpow2.f32 v11;
	v7 =	vld [tilespmem:s31+$0x0];
	[tilespmem:s26+$0xB0] =	vst v5  }
0xd4: {  	v5 =	vmul.f32 $1.442695020e+00, v10;
	(erf) = vpow2.f32 v6;
	v6 =	vld [tilespmem:s31+$0x10];
	[tilespmem:s26+$0xC0] =	vst v2  }
0xd5: {  	s29 =	sadd.s32 $0x80, s29;
	(erf) = vpow2.f32 v4;
	v2 =	vld [tilespmem:s31+$0x20];
	[tilespmem:s3+$0x70] =	vst v8  }
0xd6: {  	v4 =	vmul.f32 $1.442695020e+00, v12;
	(erf) = vpow2.f32 v5;
	v5 =	vld [tilespmem:s29+$0x30];
	[tilespmem:s26+$0xD0] =	vst v0  }
0xd7: {  	v8 =	vmul.f32 $1.442695020e+00, v3;
	v3 =	vld [tilespmem:s31+$0x30];
	[tilespmem:s26+$0xE0] =	vst v1;
	s26 =	smov.u32 s3  }
0xd8: {  	(erf) = vpow2.f32 v4;
	[tilespmem:s3+$0xFFFFFF00] =	vst v7;
	v1 =	vld [tilespmem:s31+$0x40]  }
0xd9: {  	s30 =	sadd.s32 $0x400, s30;
	(erf) = vpow2.f32 v8;
	v0 =	vpop (erf);
	[tilespmem:s3+$0xFFFFFF10] =	vst v6;
	v4 =	vld [tilespmem:s31+$0x50]  }
0xda: {  	[tilespmem:s30+$0xFFFFFFF0] =	vst v0;
	v0 =	vld [tilespmem:s31+$0x60]  }
0xdb: {  	v6 =	vpop (erf);
	v7 =	vld [tilespmem:s31+$0x80];
	[tilespmem:s3+$0xF0] =	vst v5  }
0xdc: {  	[tilespmem:s30+$0xFFFFFF90] =	vst v6;
	v5 =	vld [tilespmem:s11+$0x30];
	v6 =	vpop (erf)  }
0xdd: {  	v8 =	vld [tilespmem:s11+$0xFFFFFFD0];
	[tilespmem:s30+$0xFFFFFFA0] =	vst v6;
	v6 =	vpop (erf)  }
0xde: {  	v9 =	vld [tilespmem:s11+$0xFFFFFFE0];
	[tilespmem:s30+$0xFFFFFFB0] =	vst v6;
	v6 =	vpop (erf)  }
0xdf: {  	v10 =	vld [tilespmem:s11+$0xFFFFFFF0];
	[tilespmem:s30+$0xFFFFFFC0] =	vst v6;
	v6 =	vpop (erf)  }
0xe0: {  	v11 =	vld [tilespmem:s11+$0x0];
	[tilespmem:s30+$0xFFFFFFD0] =	vst v6  }
0xe1: {  	v6 =	vld [tilespmem:s11+$0x10];
	v5 =	vmul.f32 $1.442695020e+00, v5;
	v12 =	vpop (erf);
	[tilespmem:s3+$0xFFFFFF20] =	vst v2  }
0xe2: {  	v2 =	vmul.f32 $1.442695020e+00, v8;
	[tilespmem:s30+$0xFFFFFFE0] =	vst v12;
	v8 =	vpop (erf);
	v12 =	vld [tilespmem:s31+$0x90]  }
0xe3: {  	[tilespmem:s30+$0xFFFFFF80] =	vst v8;
	v8 =	vmul.f32 $1.442695020e+00, v9;
	v9 =	vld [tilespmem:s11+$0x20];
	(erf) = vpow2.f32 v5  }
0xe4: {  	v5 =	vld [tilespmem:s11+$0xFFFFFFC0];
	v10 =	vmul.f32 $1.442695020e+00, v10;
	(erf) = vpow2.f32 v2;
	[tilespmem:s3+$0xFFFFFF30] =	vst v3  }
0xe5: {  	v2 =	vmul.f32 $1.442695020e+00, v11;
	(erf) = vpow2.f32 v8;
	v3 =	vld [tilespmem:s31+$0xA0];
	[tilespmem:s3+$0xFFFFFF40] =	vst v1  }
0xe6: {  	v1 =	vmul.f32 $1.442695020e+00, v6;
	(erf) = vpow2.f32 v10;
	v6 =	vld [tilespmem:s31+$0xB0];
	[tilespmem:s3+$0xFFFFFF50] =	vst v4  }
0xe7: {  	(erf) = vpow2.f32 v2;
	v2 =	vld [tilespmem:s31+$0xC0];
	[tilespmem:s3+$0xFFFFFF60] =	vst v0  }
0xe8: {  	v0 =	vmul.f32 $1.442695020e+00, v9;
	(erf) = vpow2.f32 v1;
	[tilespmem:s3+$0xFFFFFF80] =	vst v7;
	v1 =	vld [tilespmem:s31+$0xD0]  }
0xe9: {  	v7 =	vmul.f32 $1.442695020e+00, v5;
	[tilespmem:s3+$0xFFFFFF90] =	vst v12;
	v5 =	vld [tilespmem:s31+$0xE0]  }
0xea: {  	(erf) = vpow2.f32 v0;
	v0 =	vld [tilespmem:s28+$0xFFFFFFC0];
	[tilespmem:s3+$0xFFFFFFA0] =	vst v3  }
0xeb: {  	(erf) = vpow2.f32 v7;
	v3 =	vld [tilespmem:s28+$0xFFFFFFD0];
	[tilespmem:s3+$0xFFFFFFB0] =	vst v6  }
0xec: {  	v4 =	vpop (erf);
	v6 =	vld [tilespmem:s28+$0xFFFFFFE0];
	[tilespmem:s3+$0xFFFFFFC0] =	vst v2  }
0xed: {  	[tilespmem:s30+$0x70] =	vst v4;
	v2 =	vpop (erf);
	v4 =	vld [tilespmem:s28+$0xFFFFFFF0]  }
0xee: {  	[tilespmem:s30+$0x10] =	vst v2;
	v2 =	vld [tilespmem:s11+$0xB0];
	v7 =	vpop (erf)  }
0xef: {  	v8 =	vld [tilespmem:s11+$0x50];
	[tilespmem:s30+$0x20] =	vst v7;
	v7 =	vpop (erf)  }
0xf0: {  	v9 =	vld [tilespmem:s11+$0x60];
	[tilespmem:s30+$0x30] =	vst v7;
	v7 =	vpop (erf)  }
0xf1: {  	v10 =	vld [tilespmem:s11+$0x70];
	[tilespmem:s30+$0x40] =	vst v7;
	v7 =	vpop (erf)  }
0xf2: {  	v11 =	vld [tilespmem:s11+$0x80];
	[tilespmem:s30+$0x50] =	vst v7  }
0xf3: {  	v7 =	vld [tilespmem:s11+$0x90];
	v2 =	vmul.f32 $1.442695020e+00, v2;
	v12 =	vpop (erf);
	[tilespmem:s3+$0xFFFFFFD0] =	vst v1  }
0xf4: {  	v1 =	vmul.f32 $1.442695020e+00, v8;
	[tilespmem:s30+$0x60] =	vst v12;
	v8 =	vpop (erf);
	v12 =	vld [tilespmem:s28+$0x0]  }
0xf5: {  	[tilespmem:s30+$0x0] =	vst v8;
	v8 =	vmul.f32 $1.442695020e+00, v9;
	v9 =	vld [tilespmem:s11+$0xA0];
	(erf) = vpow2.f32 v2  }
0xf6: {  	v2 =	vld [tilespmem:s11+$0x40];
	v10 =	vmul.f32 $1.442695020e+00, v10;
	(erf) = vpow2.f32 v1;
	[tilespmem:s3+$0xFFFFFFE0] =	vst v5  }
0xf7: {  	v1 =	vmul.f32 $1.442695020e+00, v11;
	(erf) = vpow2.f32 v8;
	[tilespmem:s3+$0x0] =	vst v0;
	v0 =	vld [tilespmem:s28+$0x10]  }
0xf8: {  	v5 =	vmul.f32 $1.442695020e+00, v7;
	(erf) = vpow2.f32 v10;
	[tilespmem:s3+$0x10] =	vst v3;
	v7 =	vld [tilespmem:s28+$0x20]  }
0xf9: {  	(erf) = vpow2.f32 v1;
	v1 =	vld [tilespmem:s29+$0xFFFFFFC0];
	[tilespmem:s3+$0x20] =	vst v6  }
0xfa: {  	v6 =	vmul.f32 $1.442695020e+00, v9;
	(erf) = vpow2.f32 v5;
	v3 =	vld [tilespmem:s29+$0xFFFFFFD0];
	[tilespmem:s3+$0x30] =	vst v4  }
0xfb: {  	v2 =	vmul.f32 $1.442695020e+00, v2;
	v4 =	vld [tilespmem:s29+$0xFFFFFFE0];
	[tilespmem:s3+$0x40] =	vst v12  }
0xfc: {  	(erf) = vpow2.f32 v6;
	v5 =	vld [tilespmem:s29+$0xFFFFFFF0];
	[tilespmem:s3+$0x50] =	vst v0  }
0xfd: {  	(erf) = vpow2.f32 v2;
	v2 =	vld [tilespmem:s29+$0x0];
	[tilespmem:s3+$0x60] =	vst v7  }
0xfe: {  	v6 =	vpop (erf);
	[tilespmem:s3+$0x80] =	vst v1;
	v0 =	vld [tilespmem:s29+$0x10]  }
0xff: {  	s31 =	sadd.s32 $0x200, s31;
	[tilespmem:s30+$0xF0] =	vst v6;
	v6 =	vpop (erf);
	v1 =	vld [tilespmem:s29+$0x20]  }
0x100: {  	[tilespmem:s30+$0x90] =	vst v6;
	v6 =	vld [tilespmem:s31+$0xFFFFFF70];
	v7 =	vpop (erf)  }
0x101: {  	v8 =	vld [tilespmem:s31+$0xFFFFFF10];
	[tilespmem:s30+$0xA0] =	vst v7;
	v7 =	vpop (erf)  }
0x102: {  	v9 =	vld [tilespmem:s31+$0xFFFFFF20];
	[tilespmem:s30+$0xB0] =	vst v7;
	v7 =	vpop (erf)  }
0x103: {  	v10 =	vld [tilespmem:s31+$0xFFFFFF30];
	[tilespmem:s30+$0xC0] =	vst v7;
	v7 =	vpop (erf)  }
0x104: {  	v11 =	vld [tilespmem:s31+$0xFFFFFF40];
	[tilespmem:s30+$0xD0] =	vst v7  }
0x105: {  	v13 =	vld [tilespmem:s31+$0xFFFFFF50];
	[tilespmem:s30+$0x170] =	vst v6;
	v6 =	vpop (erf)  }
0x106: {  	[tilespmem:s30+$0xE0] =	vst v6;
	v12 =	vld [tilespmem:s31+$0xFFFFFFF0];
	v6 =	vpop (erf)  }
0x107: {  	[tilespmem:s30+$0x80] =	vst v6;
	v14 =	vld [tilespmem:s31+$0xFFFFFF60]  }
0x108: {  	v15 =	vld [tilespmem:s31+$0xFFFFFF00];
	[tilespmem:s30+$0x110] =	vst v8  }
0x109: {  	v8 =	vld [tilespmem:s31+$0xFFFFFF90];
	[tilespmem:s30+$0x120] =	vst v9  }
0x10a: {  	v7 =	vld [tilespmem:s31+$0xFFFFFFA0];
	[tilespmem:s30+$0x130] =	vst v10  }
0x10b: {  	v6 =	vld [tilespmem:s31+$0xFFFFFFB0];
	[tilespmem:s30+$0x1F0] =	vst v12  }
.Ltmp2:
0x10c: {  	[tilespmem:s30+$0x140] =	vst v11;
	v12 =	vld [tilespmem:s31+$0x70];
	(pc) =	sbr.rel @p0 .LBB2_7-.Ltmp2, $4  }
0x10d: {  	[tilespmem:s30+$0x100] =	vst v15;
	v9 =	vld [tilespmem:s31+$0xFFFFFFC0]  }
0x10e: {  	v11 =	vld [tilespmem:s31+$0xFFFFFF80];
	[tilespmem:s30+$0x150] =	vst v13  }
0x10f: {  	v10 =	vld [tilespmem:s31+$0xFFFFFFD0];
	[tilespmem:s30+$0x160] =	vst v14  }
0x110: {  	s11 =	sadd.s32 $0x200, s11;
	s3 =	sadd.s32 $0x200, s3;
	[tilespmem:s30+$0x190] =	vst v8;
	v8 =	vld [tilespmem:s31+$0xFFFFFFE0]  }
0x111: {  	[tilespmem:s3+$0xFFFFFF70] =	vst v12  }
0x112: {  	[tilespmem:s30+$0x1A0] =	vst v7  }
0x113: {  	[tilespmem:s30+$0x1B0] =	vst v6  }
0x114: {  	[tilespmem:s26+$0x90] =	vst v3  }
0x115: {  	[tilespmem:s26+$0xA0] =	vst v4  }
0x116: {  	[tilespmem:s26+$0xB0] =	vst v5  }
0x117: {  	[tilespmem:s26+$0xC0] =	vst v2  }
0x118: {  	[tilespmem:s26+$0xD0] =	vst v0  }
0x119: {  	v38 =	vld [tilespmem:s31+$0x10];
	[tilespmem:s26+$0xE0] =	vst v1  }
0x11a: {  	v12 =	vld [tilespmem:s31+$0xF0];
	[tilespmem:s30+$0x1C0] =	vst v9  }
0x11b: {  	v40 =	vld [tilespmem:s31+$0x20];
	[tilespmem:s30+$0x180] =	vst v11  }
0x11c: {  	v41 =	vld [tilespmem:s31+$0x30];
	[tilespmem:s30+$0x1D0] =	vst v10  }
0x11d: {  	v42 =	vld [tilespmem:s31+$0x40];
	[tilespmem:s30+$0x1E0] =	vst v8  }
0x11e: {  	v37 =	vld [tilespmem:s31+$0x0];
	[tilespmem:s3+$0xFFFFFF10] =	vst v38  }
0x11f: {  	v43 =	vld [tilespmem:s31+$0x50];
	[tilespmem:s3+$0xFFFFFFF0] =	vst v12  }
0x120: {  	v44 =	vld [tilespmem:s31+$0x60];
	[tilespmem:s3+$0xFFFFFF20] =	vst v40  }
0x121: {  	s4 =	sadd.s32 $0x80, s28;
	v46 =	vld [tilespmem:s31+$0x90];
	[tilespmem:s3+$0xFFFFFF30] =	vst v41  }
0x122: {  	v36 =	vld [tilespmem:s4+$0x30];
	[tilespmem:s3+$0xFFFFFF40] =	vst v42  }
0x123: {  	v47 =	vld [tilespmem:s31+$0xA0];
	[tilespmem:s3+$0xFFFFFF00] =	vst v37  }
0x124: {  	v48 =	vld [tilespmem:s31+$0xB0];
	[tilespmem:s3+$0xFFFFFF50] =	vst v43  }
0x125: {  	v49 =	vld [tilespmem:s31+$0xC0];
	[tilespmem:s3+$0xFFFFFF60] =	vst v44  }
0x126: {  	v45 =	vld [tilespmem:s31+$0x80];
	[tilespmem:s3+$0xFFFFFF90] =	vst v46  }
0x127: {  	v50 =	vld [tilespmem:s31+$0xD0];
	[tilespmem:s3+$0x70] =	vst v36  }
0x128: {  	v4 =	vld [tilespmem:s31+$0xE0];
	[tilespmem:s3+$0xFFFFFFA0] =	vst v47  }
0x129: {  	s11 =	sadd.s32 $0x80, s29;
	v52 =	vld [tilespmem:s4+$0xFFFFFFD0];
	[tilespmem:s3+$0xFFFFFFB0] =	vst v48  }
0x12a: {  	v39 =	vld [tilespmem:s11+$0x30];
	[tilespmem:s3+$0xFFFFFFC0] =	vst v49  }
0x12b: {  	v53 =	vld [tilespmem:s4+$0xFFFFFFE0];
	[tilespmem:s3+$0xFFFFFF80] =	vst v45  }
0x12c: {  	v54 =	vld [tilespmem:s4+$0xFFFFFFF0];
	[tilespmem:s3+$0xFFFFFFD0] =	vst v50  }
0x12d: {  	v55 =	vld [tilespmem:s4+$0x0];
	[tilespmem:s3+$0xFFFFFFE0] =	vst v4  }
0x12e: {  	v51 =	vld [tilespmem:s4+$0xFFFFFFC0];
	[tilespmem:s3+$0x10] =	vst v52  }
0x12f: {  	v56 =	vld [tilespmem:s4+$0x10];
	[tilespmem:s3+$0xF0] =	vst v39  }
0x130: {  	v57 =	vld [tilespmem:s4+$0x20];
	[tilespmem:s3+$0x20] =	vst v53  }
0x131: {  	v58 =	vld [tilespmem:s11+$0xFFFFFFD0];
	[tilespmem:s3+$0x30] =	vst v54  }
0x132: {  	v59 =	vld [tilespmem:s11+$0xFFFFFFE0];
	[tilespmem:s3+$0x40] =	vst v55  }
0x133: {  	v60 =	vld [tilespmem:s11+$0xFFFFFFF0];
	[tilespmem:s3+$0x0] =	vst v51  }
0x134: {  	v61 =	vld [tilespmem:s11+$0x0];
	[tilespmem:s3+$0x50] =	vst v56  }
0x135: {  	v5 =	vld [tilespmem:s11+$0xFFFFFFC0];
	[tilespmem:s3+$0x60] =	vst v57  }
0x136: {  	v62 =	vld [tilespmem:s11+$0x10];
	[tilespmem:s3+$0x90] =	vst v58  }
0x137: {  	v63 =	vld [tilespmem:s11+$0x20];
	[tilespmem:s3+$0xA0] =	vst v59  }
0x138: {  	[tilespmem:s3+$0xB0] =	vst v60  }
0x139: {  	[tilespmem:s3+$0xC0] =	vst v61  }
0x13a: {  	[tilespmem:s3+$0x80] =	vst v5  }
0x13b: {  	s29 =	smul.u32 $0x6400, s25;
	[tilespmem:s3+$0xD0] =	vst v62  }
0x13c: {  	p0 =	sne.s32 s24, s10;
	[tilespmem:s3+$0xE0] =	vst v63  }
0x13d: {  	s30 =	sshrl.u32 s29, $0x3;
	s31 =	sadd.s32 $0x1, s24;
	_ =	swait.ge [sflag:s18], $0x2580  }
.Ltmp3:
0x13e: {  	s3 =	sadd.s32 $0xF42400, s29;
	[sflag:s18] =	ssyncset.done $0x0;
	(pc) =	sbr.rel @p0 .LBB2_2-.Ltmp3, $4  }
0x13f: {  	s4 =	sadd.s32 s7, s30;
	s3 =	sshrl.u32 s3, $0x3;
	[sflag:s18] =	ssyncadd.s32 $0xFFFFDA80  }
0x140: {  	[hbm4b:s4+s8] =	stream.linear.scatter [tilespmem:s19], [sflag:$0x3], $0x6400, $0x38;
	[tilespmem:$0x11300] =	vst v63  }
0x141: {  	s24 =	smov.u32 s31;
	s3 =	sadd.s32 s7, s3  }
0x142: {  	[hbm4b:s3+s15] =	stream.strided.scatter [tilespmem:s21], [sflag:$0x3], $0x3200, s20, s15, $0x38;
	[tilespmem:$0x11300] =	vst v63  }
0x143: {  	_ =	swait.ge [sflag:s22], $0x6400  }
0x144: {  	[sflag:s22] =	ssyncset.done $0x0  }
0x145: {  	[sflag:s22] =	ssyncadd.s32 $0xFFFF9C00  }
0x146: {  	_ =	swait.ge [sflag:s22], $0x3200  }
0x147: {  	s23 =	sadd.s32 $0x1, s23;
	s3 =	rddreg [dreg:$0x7]  }
0x148: {  	p0 =	sne.s32 s23, s3  }
.Ltmp4:
0x149: {  	_ = 	snop;
	(pc) =	sbr.rel @p0 .LBB2_1-.Ltmp4, $3  }
0x14a: {  	_ =	sdelay $0x1  }
0x14b: {  	[sflag:s22] =	ssyncset.done $0x0  }
0x14c: {  	[sflag:s22] =	ssyncadd.s32 $0xFFFFCE00  }
0x14d: {  	_ =	sfence.sel $0x180000  }
0x14e: {  	[bflag:$0x0] =	sbarrier.arrive $0xFFFF  }
0x14f: {  	_ =	strace $0x90000047  }
0x150: {  	s0 =	stileid.u32;
	[bflag:$0x2] =	sbarrier.arrive $0xFFFF  }
0x151: {  	p0 =	sne.s32 s0, $0x0;
	s0 =	rddreg [dreg:$0x6]  }
0x152: {  	s0 =	sadd.s32 @!p0 $0x100000, s0  }
0x153: {  	[sflag:s0] =	ssyncadd.tile.s32 @!p0 $0x1;
	_ =	shalt  }
.Lfunc_end2:
_tile_overlayer_lowered:
.L_overlay_start_2:
0x154: {  	(tag) =	ssettag $0x2  }
0x155: {  	s0 =	rddreg [dreg:$0x0];
	s2 =	stileid.u32  }
0x156: {  	s1 =	rddreg [dreg:$0x1];
	p0 =	sne.s32 s2, $0x0  }
0x157: {  	s3 =	rddreg [dreg:$0x2];
	[bflag:$0x3] =	sbarrier.arrive $0xFFFF;
	s2 =	simm.s32 @!p0 $0x1C04  }
0x158: {  	[timem:s3], [sflag:s2] =	dma.local @!p0 [hbm:s0], s1  }
0x159: {  	s0 =	simm.s32 @!p0 $0x4  }
0x15a: {  	_ =	swait.ge @!p0 [sflag:s0], s1  }
0x15b: {  	s1 =	ssub.s32 @!p0 $0x0, s1;
	[sflag:s0] =	ssyncset.done @!p0 $0x0  }
0x15c: {  	[sflag:s0] =	ssyncadd.s32 @!p0 s1  }
0x15d: {  	[bflag:$0x3] =	sbarrier.arrive $0xFFFF  }
0x15e: {  	_ =	shalt  }

</sc_bundles>
